<compile_context>
chip_gen: v7x
topology: tpu7x:2x2x1
jax: 0.10.2.dev20260603
libtpu: 0.0.44.dev20260713+nightly
codegen_flags: <defaults>
</compile_context>

<pallas_src>
import functools

import jax
import jax.numpy as jnp
from jax import lax
from jax.experimental import pallas as pl
from jax.experimental.pallas import tpu as pltpu
from jax.experimental.pallas import tpu_sc as plsc

BATCH = 16384
SEQ = 200
D = 100
DP = 112
VOCAB = 400
B = BATCH * SEQ

NC = 2
NS = 16
NW = NC * NS

G = 128
K = 2
ROWS = B // G
ROWS_PER_W = ROWS // NW
N_CHUNKS = ROWS_PER_W // K


def _sc_gather(off2, tab_padded):
    mesh = plsc.VectorSubcoreMesh(core_axis_name="c", subcore_axis_name="s")

    @functools.partial(
        pl.kernel,
        mesh=mesh,
        out_type=jax.ShapeDtypeStruct((ROWS, G, DP), jnp.float32),
        scratch_types=[
            pltpu.VMEM((2, K, G), jnp.int32),
            pltpu.VMEM((2, K, G, DP), jnp.float32),
            pltpu.SemaphoreType.DMA,
            pltpu.SemaphoreType.DMA,
            pltpu.SemaphoreType.DMA,
            pltpu.SemaphoreType.DMA,
        ],
        compiler_params=pltpu.CompilerParams(use_tc_tiling_on_sc=False),
    )
    def k(off_hbm, tab_hbm, out_hbm, idx_v, rows_v, g0, g1, o0, o1):
        cid = lax.axis_index("c")
        sid = lax.axis_index("s")
        wid = sid * NC + cid
        row0 = wid * ROWS_PER_W
        gsem = (g0, g1)
        osem = (o0, o1)
        tab_s = tab_hbm

        def fire(i, b):
            r = row0 + i * K
            pltpu.sync_copy(off_hbm.at[pl.ds(r, K)], idx_v.at[b])
            for j in range(K):
                pltpu.async_copy(
                    tab_s.at[idx_v.at[b].at[j]], rows_v.at[b].at[j], gsem[b])

        def drain_and_put(i, b):
            for j in range(K):
                pltpu.make_async_copy(
                    tab_s.at[idx_v.at[b].at[j]], rows_v.at[b].at[j],
                    gsem[b]).wait()
            r = row0 + i * K
            pltpu.async_copy(rows_v.at[b], out_hbm.at[pl.ds(r, K)], osem[b])

        def wait_out(i, b):
            r = row0 + i * K
            pltpu.make_async_copy(
                rows_v.at[b], out_hbm.at[pl.ds(r, K)], osem[b]).wait()

        def pair(p, carry):
            for b in range(2):
                i = p * 2 + b

                @pl.when(i >= 2)
                def _():
                    wait_out(i - 2, b)

                fire(i, b)

                @pl.when(i >= 1)
                def _():
                    drain_and_put(i - 1, 1 - b)

            return carry

        lax.fori_loop(0, N_CHUNKS // 2, pair, 0)
        drain_and_put(N_CHUNKS - 1, (N_CHUNKS - 1) % 2)
        wait_out(N_CHUNKS - 2, 0)
        wait_out(N_CHUNKS - 1, 1)

    return k(off2, tab_padded)


def kernel(offsets, offset_embedding):
    off2 = offsets.reshape(ROWS, G)
    tab_padded = jnp.pad(offset_embedding, ((0, 0), (0, DP - D)))
    out = _sc_gather(off2, tab_padded)
    return out[:, :, :D].reshape(BATCH, SEQ, D)

# --- scband reference (transcript-rebuilt; emitter-appended) ---
"""Pipeline reference for scband-concept-embeddings-2-41334765257242 (READ-ONLY COPY).

The authoritative reference and input builder live on the scoring server;
editing this copy changes nothing except your own understanding.
"""

import jax, jax.numpy as jnp
import numpy as np

MAX_LEN = 200
OFFSET_DIM = 100
VOCAB = 2 * MAX_LEN  # 400 rows in offset_embedding
BATCH = 16384
SEQ = 200

def setup_inputs(seed: int = 0) -> dict:
    key = jax.random.key(seed)
    k1, k2 = jax.random.split(key)
    offsets = jax.random.randint(k1, (BATCH, SEQ), 0, VOCAB, dtype=jnp.int64 if jax.config.jax_enable_x64 else jnp.int32)
    # learned parameter: offset_embedding table, nn.Embedding default init ~ N(0,1)
    offset_embedding = jax.random.normal(k2, (VOCAB, OFFSET_DIM), dtype=jnp.float32)
    return {"offsets": offsets, "offset_embedding": offset_embedding}

def reference(offsets, offset_embedding):
    # Faithful to the computable core of ConceptEmbeddings_2._add_embeddings_internal:
    # concept_embeddings = self.offset_embedding(offsets)
    # (file-based overwrite loop is external I/O and not part of the tensor program)
    concept_embeddings = jnp.take(offset_embedding, offsets, axis=0)
    return concept_embeddings

if __name__ == "__main__":
    import jax
    _d = setup_inputs()
    print(jax.jit(kernel)(*tuple(_d.values())))

</pallas_src>

<mosaic_0001>
#map = affine_map<(d0, d1) -> (0, 0)>
#map1 = affine_map<(d0, d1) -> (0, 0, 0)>
module attributes {stable_mosaic.version = 14 : i64} {
  func.func @k(%arg0: i32, %arg1: i32, %arg2: memref<25600x128xi32, #tpu.memory_space<hbm>>, %arg3: memref<400x112xf32, #tpu.memory_space<hbm>>, %arg4: memref<25600x128x112xf32, #tpu.memory_space<hbm>>, %arg5: memref<2x2x128xi32, #tpu.memory_space<vmem>>, %arg6: memref<2x2x128x112xf32, #tpu.memory_space<vmem>>, %arg7: memref<!tpu.dma_semaphore, #tpu.memory_space<semaphore_mem>>, %arg8: memref<!tpu.dma_semaphore, #tpu.memory_space<semaphore_mem>>, %arg9: memref<!tpu.dma_semaphore, #tpu.memory_space<semaphore_mem>>, %arg10: memref<!tpu.dma_semaphore, #tpu.memory_space<semaphore_mem>>) attributes {dimension_semantics = [#tpu.dimension_semantics<core_parallel>, #tpu.dimension_semantics<subcore_parallel>], iteration_bounds = array<i64: 2, 16>, scalar_prefetch = 0 : i64, scratch_operands = 6 : i64, tpu.core_type = #tpu.core_type<sc_vector_subcore>, window_params = [{transform_indices = #map}, {transform_indices = #map}, {transform_indices = #map1}]} {
    %mul3A = arith.constant 2 : i32
    %mul3A_0 = arith.muli %arg1, %mul3A : i32
    %add3A = arith.addi %mul3A_0, %arg0 : i32
    %mul3A_1 = arith.constant 800 : i32
    %mul3A_2 = arith.muli %add3A, %mul3A_1 : i32
    %scan3A = arith.constant 0 : i32
    %scan3A_3 = arith.constant 0 : i32
    %scan3A_4 = arith.constant 200 : i32
    %scan3A_5 = arith.addi %scan3A_3, %scan3A_4 : i32
    %scan3A_6 = arith.constant 1 : i32
    scf.for %scan3A_109 = %scan3A_3 to %scan3A_5 step %scan3A_6  : i32 {
      %mul3A_110 = arith.constant 2 : i32
      %mul3A_111 = arith.muli %scan3A_109, %mul3A_110 : i32
      %add3A_112 = arith.constant 0 : i32
      %add3A_113 = arith.addi %mul3A_111, %add3A_112 : i32
      %ge3A = arith.constant 2 : i32
      %ge3A_114 = arith.cmpi sge, %add3A_113, %ge3A : i32
      %convert_element_type3A = arith.extui %ge3A_114 : i1 to i32
      %cond3A = arith.constant 0 : i32
      %cond3A_115 = arith.cmpi ne, %convert_element_type3A, %cond3A : i32
      scf.if %cond3A_115 {
        %sub3A = arith.constant 2 : i32
        %sub3A_234 = arith.subi %add3A_113, %sub3A : i32
        %mul3A_235 = arith.constant 2 : i32
        %mul3A_236 = arith.muli %sub3A_234, %mul3A_235 : i32
        %add3A_237 = arith.addi %mul3A_2, %mul3A_236 : i32
        %dma_wait3A_238 = arith.constant 0 : i32
        %dma_wait3A_239 = arith.constant 0 : i32
        %dma_wait3A_240 = arith.constant 0 : i32
        %dma_wait3A_241 = arith.constant 0 : i32
        %dma_wait3A_242 = tpu.memref_slice %arg6[%dma_wait3A_238, %dma_wait3A_239, %dma_wait3A_240, %dma_wait3A_241] : memref<2x2x128x112xf32, #tpu.memory_space<vmem>> -> memref<1x2x128x112xf32, #tpu.memory_space<vmem>>
        %dma_wait3A_243 = tpu.memref_squeeze %dma_wait3A_242 : memref<1x2x128x112xf32, #tpu.memory_space<vmem>> -> memref<2x128x112xf32, #tpu.memory_space<vmem>>
        %dma_wait3A_244 = arith.constant 0 : i32
        %dma_wait3A_245 = arith.constant 0 : i32
        %dma_wait3A_246 = tpu.memref_slice %arg4[%add3A_237, %dma_wait3A_244, %dma_wait3A_245] : memref<25600x128x112xf32, #tpu.memory_space<hbm>> -> memref<2x128x112xf32, #tpu.memory_space<hbm>>
        %dma_wait3A_247 = arith.constant 0 : i32
        %dma_wait3A_248 = arith.constant 0 : i32
        %dma_wait3A_249 = tpu.memref_slice %arg4[%add3A_237, %dma_wait3A_247, %dma_wait3A_248] : memref<25600x128x112xf32, #tpu.memory_space<hbm>> -> memref<2x128x112xf32, #tpu.memory_space<hbm>>
        %dma_wait3A_250 = arith.constant 0 : i32
        %dma_wait3A_251 = arith.constant 0 : i32
        %dma_wait3A_252 = arith.constant 0 : i32
        %dma_wait3A_253 = tpu.memref_slice %arg6[%dma_wait3A_238, %dma_wait3A_250, %dma_wait3A_251, %dma_wait3A_252] : memref<2x2x128x112xf32, #tpu.memory_space<vmem>> -> memref<1x2x128x112xf32, #tpu.memory_space<vmem>>
        %dma_wait3A_254 = tpu.memref_squeeze %dma_wait3A_253 : memref<1x2x128x112xf32, #tpu.memory_space<vmem>> -> memref<2x128x112xf32, #tpu.memory_space<vmem>>
        tpu.wait_dma2 semaphore(%arg9 : memref<!tpu.dma_semaphore, #tpu.memory_space<semaphore_mem>>) src(%dma_wait3A_254 : memref<2x128x112xf32, #tpu.memory_space<vmem>>) dst(%dma_wait3A_249 : memref<2x128x112xf32, #tpu.memory_space<hbm>>)
      } else {
      }
      %mul3A_116 = arith.constant 2 : i32
      %mul3A_117 = arith.muli %add3A_113, %mul3A_116 : i32
      %add3A_118 = arith.addi %mul3A_2, %mul3A_117 : i32
      %run_scoped3A = arith.constant 0 : i32
      "tpu.region"() ({
        %run_scoped3A_234 = tpu.sem_alloc : memref<!tpu.dma_semaphore, #tpu.memory_space<semaphore_mem>>
        %dma_start3A_235 = arith.constant 0 : i32
        %dma_start3A_236 = arith.constant 0 : i32
        %dma_start3A_237 = tpu.memref_slice %arg5[%run_scoped3A, %dma_start3A_235, %dma_start3A_236] : memref<2x2x128xi32, #tpu.memory_space<vmem>> -> memref<1x2x128xi32, #tpu.memory_space<vmem>>
        %dma_start3A_238 = tpu.memref_squeeze %dma_start3A_237 : memref<1x2x128xi32, #tpu.memory_space<vmem>> -> memref<2x128xi32, #tpu.memory_space<vmem>>
        %dma_start3A_239 = arith.constant 0 : i32
        %dma_start3A_240 = tpu.memref_slice %arg2[%add3A_118, %dma_start3A_239] : memref<25600x128xi32, #tpu.memory_space<hbm>> -> memref<2x128xi32, #tpu.memory_space<hbm>>
        %dma_start3A_241 = arith.constant 0 : i32
        %dma_start3A_242 = arith.constant 0 : i32
        %dma_start3A_243 = tpu.memref_slice %arg5[%run_scoped3A, %dma_start3A_241, %dma_start3A_242] : memref<2x2x128xi32, #tpu.memory_space<vmem>> -> memref<1x2x128xi32, #tpu.memory_space<vmem>>
        %dma_start3A_244 = tpu.memref_squeeze %dma_start3A_243 : memref<1x2x128xi32, #tpu.memory_space<vmem>> -> memref<2x128xi32, #tpu.memory_space<vmem>>
        %dma_start3A_245 = arith.constant 0 : i32
        %dma_start3A_246 = tpu.memref_slice %arg2[%add3A_118, %dma_start3A_245] : memref<25600x128xi32, #tpu.memory_space<hbm>> -> memref<2x128xi32, #tpu.memory_space<hbm>>
        tpu.enqueue_dma source(%dma_start3A_246 : memref<2x128xi32, #tpu.memory_space<hbm>>) target(%dma_start3A_244 : memref<2x128xi32, #tpu.memory_space<vmem>>) target_semaphore(%run_scoped3A_234 : memref<!tpu.dma_semaphore, #tpu.memory_space<semaphore_mem>>)
        %dma_wait3A_247 = arith.constant 0 : i32
        %dma_wait3A_248 = arith.constant 0 : i32
        %dma_wait3A_249 = tpu.memref_slice %arg5[%run_scoped3A, %dma_wait3A_247, %dma_wait3A_248] : memref<2x2x128xi32, #tpu.memory_space<vmem>> -> memref<1x2x128xi32, #tpu.memory_space<vmem>>
        %dma_wait3A_250 = tpu.memref_squeeze %dma_wait3A_249 : memref<1x2x128xi32, #tpu.memory_space<vmem>> -> memref<2x128xi32, #tpu.memory_space<vmem>>
        %dma_wait3A_251 = arith.constant 0 : i32
        %dma_wait3A_252 = tpu.memref_slice %arg2[%add3A_118, %dma_wait3A_251] : memref<25600x128xi32, #tpu.memory_space<hbm>> -> memref<2x128xi32, #tpu.memory_space<hbm>>
        %dma_wait3A_253 = arith.constant 0 : i32
        %dma_wait3A_254 = arith.constant 0 : i32
        %dma_wait3A_255 = tpu.memref_slice %arg5[%run_scoped3A, %dma_wait3A_253, %dma_wait3A_254] : memref<2x2x128xi32, #tpu.memory_space<vmem>> -> memref<1x2x128xi32, #tpu.memory_space<vmem>>
        %dma_wait3A_256 = tpu.memref_squeeze %dma_wait3A_255 : memref<1x2x128xi32, #tpu.memory_space<vmem>> -> memref<2x128xi32, #tpu.memory_space<vmem>>
        %dma_wait3A_257 = arith.constant 0 : i32
        %dma_wait3A_258 = tpu.memref_slice %arg2[%add3A_118, %dma_wait3A_257] : memref<25600x128xi32, #tpu.memory_space<hbm>> -> memref<2x128xi32, #tpu.memory_space<hbm>>
        tpu.wait_dma2 semaphore(%run_scoped3A_234 : memref<!tpu.dma_semaphore, #tpu.memory_space<semaphore_mem>>) src(%dma_wait3A_258 : memref<2x128xi32, #tpu.memory_space<hbm>>) dst(%dma_wait3A_256 : memref<2x128xi32, #tpu.memory_space<vmem>>)
        tpu.yield
      }) : () -> ()
      %dma_start3A_119 = arith.constant 0 : i32
      %dma_start3A_120 = arith.constant 0 : i32
      %dma_start3A_121 = arith.constant 0 : i32
      %dma_start3A_122 = arith.constant 0 : i32
      %dma_start3A_123 = arith.constant 0 : i32
      %dma_start3A_124 = arith.constant 0 : i32
      %dma_start3A_125 = arith.constant 0 : i32
      %dma_start3A_126 = tpu.memref_slice %arg6[%dma_start3A_121, %dma_start3A_123, %dma_start3A_124, %dma_start3A_125] : memref<2x2x128x112xf32, #tpu.memory_space<vmem>> -> memref<1x2x128x112xf32, #tpu.memory_space<vmem>>
      %dma_start3A_127 = tpu.memref_squeeze %dma_start3A_126 : memref<1x2x128x112xf32, #tpu.memory_space<vmem>> -> memref<2x128x112xf32, #tpu.memory_space<vmem>>
      %dma_start3A_128 = arith.constant 0 : i32
      %dma_start3A_129 = arith.constant 0 : i32
      %dma_start3A_130 = tpu.memref_slice %dma_start3A_127[%dma_start3A_122, %dma_start3A_128, %dma_start3A_129] : memref<2x128x112xf32, #tpu.memory_space<vmem>> -> memref<1x128x112xf32, #tpu.memory_space<vmem>>
      %dma_start3A_131 = tpu.memref_squeeze %dma_start3A_130 : memref<1x128x112xf32, #tpu.memory_space<vmem>> -> memref<128x112xf32, #tpu.memory_space<vmem>>
      %dma_start3A_132 = arith.constant 0 : i32
      %dma_start3A_133 = arith.constant 0 : i32
      %dma_start3A_134 = tpu.memref_slice %arg5[%dma_start3A_119, %dma_start3A_132, %dma_start3A_133] : memref<2x2x128xi32, #tpu.memory_space<vmem>> -> memref<1x2x128xi32, #tpu.memory_space<vmem>>
      %dma_start3A_135 = tpu.memref_squeeze %dma_start3A_134 : memref<1x2x128xi32, #tpu.memory_space<vmem>> -> memref<2x128xi32, #tpu.memory_space<vmem>>
      %dma_start3A_136 = arith.constant 0 : i32
      %dma_start3A_137 = tpu.memref_slice %dma_start3A_135[%dma_start3A_120, %dma_start3A_136] : memref<2x128xi32, #tpu.memory_space<vmem>> -> memref<1x128xi32, #tpu.memory_space<vmem>>
      %dma_start3A_138 = tpu.memref_squeeze %dma_start3A_137 : memref<1x128xi32, #tpu.memory_space<vmem>> -> memref<128xi32, #tpu.memory_space<vmem>>
      %dma_start3A_139 = arith.constant 0 : i32
      %dma_start3A_140 = arith.constant 0 : i32
      %dma_start3A_141 = tpu.memref_slice %arg3[%dma_start3A_139, %dma_start3A_140] : memref<400x112xf32, #tpu.memory_space<hbm>> -> memref<400x112xf32, #tpu.memory_space<hbm>>
      tpu.enqueue_indirect_dma source(%dma_start3A_141 : memref<400x112xf32, #tpu.memory_space<hbm>>) target(%dma_start3A_131 : memref<128x112xf32, #tpu.memory_space<vmem>>) offsets(%dma_start3A_138 : memref<128xi32, #tpu.memory_space<vmem>>) semaphore(%arg7 : memref<!tpu.dma_semaphore, #tpu.memory_space<semaphore_mem>>)
      %dma_start3A_142 = arith.constant 0 : i32
      %dma_start3A_143 = arith.constant 1 : i32
      %dma_start3A_144 = arith.constant 0 : i32
      %dma_start3A_145 = arith.constant 1 : i32
      %dma_start3A_146 = arith.constant 0 : i32
      %dma_start3A_147 = arith.constant 0 : i32
      %dma_start3A_148 = arith.constant 0 : i32
      %dma_start3A_149 = tpu.memref_slice %arg6[%dma_start3A_144, %dma_start3A_146, %dma_start3A_147, %dma_start3A_148] : memref<2x2x128x112xf32, #tpu.memory_space<vmem>> -> memref<1x2x128x112xf32, #tpu.memory_space<vmem>>
      %dma_start3A_150 = tpu.memref_squeeze %dma_start3A_149 : memref<1x2x128x112xf32, #tpu.memory_space<vmem>> -> memref<2x128x112xf32, #tpu.memory_space<vmem>>
      %dma_start3A_151 = arith.constant 0 : i32
      %dma_start3A_152 = arith.constant 0 : i32
      %dma_start3A_153 = tpu.memref_slice %dma_start3A_150[%dma_start3A_145, %dma_start3A_151, %dma_start3A_152] : memref<2x128x112xf32, #tpu.memory_space<vmem>> -> memref<1x128x112xf32, #tpu.memory_space<vmem>>
      %dma_start3A_154 = tpu.memref_squeeze %dma_start3A_153 : memref<1x128x112xf32, #tpu.memory_space<vmem>> -> memref<128x112xf32, #tpu.memory_space<vmem>>
      %dma_start3A_155 = arith.constant 0 : i32
      %dma_start3A_156 = arith.constant 0 : i32
      %dma_start3A_157 = tpu.memref_slice %arg5[%dma_start3A_142, %dma_start3A_155, %dma_start3A_156] : memref<2x2x128xi32, #tpu.memory_space<vmem>> -> memref<1x2x128xi32, #tpu.memory_space<vmem>>
      %dma_start3A_158 = tpu.memref_squeeze %dma_start3A_157 : memref<1x2x128xi32, #tpu.memory_space<vmem>> -> memref<2x128xi32, #tpu.memory_space<vmem>>
      %dma_start3A_159 = arith.constant 0 : i32
      %dma_start3A_160 = tpu.memref_slice %dma_start3A_158[%dma_start3A_143, %dma_start3A_159] : memref<2x128xi32, #tpu.memory_space<vmem>> -> memref<1x128xi32, #tpu.memory_space<vmem>>
      %dma_start3A_161 = tpu.memref_squeeze %dma_start3A_160 : memref<1x128xi32, #tpu.memory_space<vmem>> -> memref<128xi32, #tpu.memory_space<vmem>>
      %dma_start3A_162 = arith.constant 0 : i32
      %dma_start3A_163 = arith.constant 0 : i32
      %dma_start3A_164 = tpu.memref_slice %arg3[%dma_start3A_162, %dma_start3A_163] : memref<400x112xf32, #tpu.memory_space<hbm>> -> memref<400x112xf32, #tpu.memory_space<hbm>>
      tpu.enqueue_indirect_dma source(%dma_start3A_164 : memref<400x112xf32, #tpu.memory_space<hbm>>) target(%dma_start3A_154 : memref<128x112xf32, #tpu.memory_space<vmem>>) offsets(%dma_start3A_161 : memref<128xi32, #tpu.memory_space<vmem>>) semaphore(%arg7 : memref<!tpu.dma_semaphore, #tpu.memory_space<semaphore_mem>>)
      %ge3A_165 = arith.constant 1 : i32
      %ge3A_166 = arith.cmpi sge, %add3A_113, %ge3A_165 : i32
      %convert_element_type3A_167 = arith.extui %ge3A_166 : i1 to i32
      %cond3A_168 = arith.constant 0 : i32
      %cond3A_169 = arith.cmpi ne, %convert_element_type3A_167, %cond3A_168 : i32
      scf.if %cond3A_169 {
        %sub3A = arith.constant 1 : i32
        %sub3A_234 = arith.subi %add3A_113, %sub3A : i32
        %dma_wait3A_235 = arith.constant 1 : i32
        %dma_wait3A_236 = arith.constant 0 : i32
        %dma_wait3A_237 = arith.constant 1 : i32
        %dma_wait3A_238 = arith.constant 0 : i32
        %dma_wait3A_239 = arith.constant 0 : i32
        %dma_wait3A_240 = arith.constant 0 : i32
        %dma_wait3A_241 = arith.constant 0 : i32
        %dma_wait3A_242 = tpu.memref_slice %arg6[%dma_wait3A_237, %dma_wait3A_239, %dma_wait3A_240, %dma_wait3A_241] : memref<2x2x128x112xf32, #tpu.memory_space<vmem>> -> memref<1x2x128x112xf32, #tpu.memory_space<vmem>>
        %dma_wait3A_243 = tpu.memref_squeeze %dma_wait3A_242 : memref<1x2x128x112xf32, #tpu.memory_space<vmem>> -> memref<2x128x112xf32, #tpu.memory_space<vmem>>
        %dma_wait3A_244 = arith.constant 0 : i32
        %dma_wait3A_245 = arith.constant 0 : i32
        %dma_wait3A_246 = tpu.memref_slice %dma_wait3A_243[%dma_wait3A_238, %dma_wait3A_244, %dma_wait3A_245] : memref<2x128x112xf32, #tpu.memory_space<vmem>> -> memref<1x128x112xf32, #tpu.memory_space<vmem>>
        %dma_wait3A_247 = tpu.memref_squeeze %dma_wait3A_246 : memref<1x128x112xf32, #tpu.memory_space<vmem>> -> memref<128x112xf32, #tpu.memory_space<vmem>>
        %dma_wait3A_248 = arith.constant 0 : i32
        %dma_wait3A_249 = arith.constant 0 : i32
        %dma_wait3A_250 = tpu.memref_slice %arg5[%dma_wait3A_235, %dma_wait3A_248, %dma_wait3A_249] : memref<2x2x128xi32, #tpu.memory_space<vmem>> -> memref<1x2x128xi32, #tpu.memory_space<vmem>>
        %dma_wait3A_251 = tpu.memref_squeeze %dma_wait3A_250 : memref<1x2x128xi32, #tpu.memory_space<vmem>> -> memref<2x128xi32, #tpu.memory_space<vmem>>
        %dma_wait3A_252 = arith.constant 0 : i32
        %dma_wait3A_253 = tpu.memref_slice %dma_wait3A_251[%dma_wait3A_236, %dma_wait3A_252] : memref<2x128xi32, #tpu.memory_space<vmem>> -> memref<1x128xi32, #tpu.memory_space<vmem>>
        %dma_wait3A_254 = tpu.memref_squeeze %dma_wait3A_253 : memref<1x128xi32, #tpu.memory_space<vmem>> -> memref<128xi32, #tpu.memory_space<vmem>>
        %dma_wait3A_255 = arith.constant 0 : i32
        %dma_wait3A_256 = arith.constant 0 : i32
        %dma_wait3A_257 = tpu.memref_slice %arg3[%dma_wait3A_255, %dma_wait3A_256] : memref<400x112xf32, #tpu.memory_space<hbm>> -> memref<400x112xf32, #tpu.memory_space<hbm>>
        tpu.wait_indirect_dma semaphore(%arg8 : memref<!tpu.dma_semaphore, #tpu.memory_space<semaphore_mem>>) src(%dma_wait3A_257 : memref<400x112xf32, #tpu.memory_space<hbm>>) dst(%dma_wait3A_247 : memref<128x112xf32, #tpu.memory_space<vmem>>)
        %dma_wait3A_258 = arith.constant 1 : i32
        %dma_wait3A_259 = arith.constant 1 : i32
        %dma_wait3A_260 = arith.constant 1 : i32
        %dma_wait3A_261 = arith.constant 1 : i32
        %dma_wait3A_262 = arith.constant 0 : i32
        %dma_wait3A_263 = arith.constant 0 : i32
        %dma_wait3A_264 = arith.constant 0 : i32
        %dma_wait3A_265 = tpu.memref_slice %arg6[%dma_wait3A_260, %dma_wait3A_262, %dma_wait3A_263, %dma_wait3A_264] : memref<2x2x128x112xf32, #tpu.memory_space<vmem>> -> memref<1x2x128x112xf32, #tpu.memory_space<vmem>>
        %dma_wait3A_266 = tpu.memref_squeeze %dma_wait3A_265 : memref<1x2x128x112xf32, #tpu.memory_space<vmem>> -> memref<2x128x112xf32, #tpu.memory_space<vmem>>
        %dma_wait3A_267 = arith.constant 0 : i32
        %dma_wait3A_268 = arith.constant 0 : i32
        %dma_wait3A_269 = tpu.memref_slice %dma_wait3A_266[%dma_wait3A_261, %dma_wait3A_267, %dma_wait3A_268] : memref<2x128x112xf32, #tpu.memory_space<vmem>> -> memref<1x128x112xf32, #tpu.memory_space<vmem>>
        %dma_wait3A_270 = tpu.memref_squeeze %dma_wait3A_269 : memref<1x128x112xf32, #tpu.memory_space<vmem>> -> memref<128x112xf32, #tpu.memory_space<vmem>>
        %dma_wait3A_271 = arith.constant 0 : i32
        %dma_wait3A_272 = arith.constant 0 : i32
        %dma_wait3A_273 = tpu.memref_slice %arg5[%dma_wait3A_258, %dma_wait3A_271, %dma_wait3A_272] : memref<2x2x128xi32, #tpu.memory_space<vmem>> -> memref<1x2x128xi32, #tpu.memory_space<vmem>>
        %dma_wait3A_274 = tpu.memref_squeeze %dma_wait3A_273 : memref<1x2x128xi32, #tpu.memory_space<vmem>> -> memref<2x128xi32, #tpu.memory_space<vmem>>
        %dma_wait3A_275 = arith.constant 0 : i32
        %dma_wait3A_276 = tpu.memref_slice %dma_wait3A_274[%dma_wait3A_259, %dma_wait3A_275] : memref<2x128xi32, #tpu.memory_space<vmem>> -> memref<1x128xi32, #tpu.memory_space<vmem>>
        %dma_wait3A_277 = tpu.memref_squeeze %dma_wait3A_276 : memref<1x128xi32, #tpu.memory_space<vmem>> -> memref<128xi32, #tpu.memory_space<vmem>>
        %dma_wait3A_278 = arith.constant 0 : i32
        %dma_wait3A_279 = arith.constant 0 : i32
        %dma_wait3A_280 = tpu.memref_slice %arg3[%dma_wait3A_278, %dma_wait3A_279] : memref<400x112xf32, #tpu.memory_space<hbm>> -> memref<400x112xf32, #tpu.memory_space<hbm>>
        tpu.wait_indirect_dma semaphore(%arg8 : memref<!tpu.dma_semaphore, #tpu.memory_space<semaphore_mem>>) src(%dma_wait3A_280 : memref<400x112xf32, #tpu.memory_space<hbm>>) dst(%dma_wait3A_270 : memref<128x112xf32, #tpu.memory_space<vmem>>)
        %mul3A_281 = arith.constant 2 : i32
        %mul3A_282 = arith.muli %sub3A_234, %mul3A_281 : i32
        %add3A_283 = arith.addi %mul3A_2, %mul3A_282 : i32
        %dma_start3A_284 = arith.constant 1 : i32
        %dma_start3A_285 = arith.constant 0 : i32
        %dma_start3A_286 = arith.constant 0 : i32
        %dma_start3A_287 = arith.constant 0 : i32
        %dma_start3A_288 = tpu.memref_slice %arg6[%dma_start3A_284, %dma_start3A_285, %dma_start3A_286, %dma_start3A_287] : memref<2x2x128x112xf32, #tpu.memory_space<vmem>> -> memref<1x2x128x112xf32, #tpu.memory_space<vmem>>
        %dma_start3A_289 = tpu.memref_squeeze %dma_start3A_288 : memref<1x2x128x112xf32, #tpu.memory_space<vmem>> -> memref<2x128x112xf32, #tpu.memory_space<vmem>>
        %dma_start3A_290 = arith.constant 0 : i32
        %dma_start3A_291 = arith.constant 0 : i32
        %dma_start3A_292 = tpu.memref_slice %arg4[%add3A_283, %dma_start3A_290, %dma_start3A_291] : memref<25600x128x112xf32, #tpu.memory_space<hbm>> -> memref<2x128x112xf32, #tpu.memory_space<hbm>>
        %dma_start3A_293 = arith.constant 0 : i32
        %dma_start3A_294 = arith.constant 0 : i32
        %dma_start3A_295 = tpu.memref_slice %arg4[%add3A_283, %dma_start3A_293, %dma_start3A_294] : memref<25600x128x112xf32, #tpu.memory_space<hbm>> -> memref<2x128x112xf32, #tpu.memory_space<hbm>>
        %dma_start3A_296 = arith.constant 0 : i32
        %dma_start3A_297 = arith.constant 0 : i32
        %dma_start3A_298 = arith.constant 0 : i32
        %dma_start3A_299 = tpu.memref_slice %arg6[%dma_start3A_284, %dma_start3A_296, %dma_start3A_297, %dma_start3A_298] : memref<2x2x128x112xf32, #tpu.memory_space<vmem>> -> memref<1x2x128x112xf32, #tpu.memory_space<vmem>>
        %dma_start3A_300 = tpu.memref_squeeze %dma_start3A_299 : memref<1x2x128x112xf32, #tpu.memory_space<vmem>> -> memref<2x128x112xf32, #tpu.memory_space<vmem>>
        tpu.enqueue_dma source(%dma_start3A_300 : memref<2x128x112xf32, #tpu.memory_space<vmem>>) target(%dma_start3A_295 : memref<2x128x112xf32, #tpu.memory_space<hbm>>) target_semaphore(%arg10 : memref<!tpu.dma_semaphore, #tpu.memory_space<semaphore_mem>>)
      } else {
      }
      %mul3A_170 = arith.constant 2 : i32
      %mul3A_171 = arith.muli %scan3A_109, %mul3A_170 : i32
      %add3A_172 = arith.constant 1 : i32
      %add3A_173 = arith.addi %mul3A_171, %add3A_172 : i32
      %ge3A_174 = arith.constant 2 : i32
      %ge3A_175 = arith.cmpi sge, %add3A_173, %ge3A_174 : i32
      %convert_element_type3A_176 = arith.extui %ge3A_175 : i1 to i32
      %cond3A_177 = arith.constant 0 : i32
      %cond3A_178 = arith.cmpi ne, %convert_element_type3A_176, %cond3A_177 : i32
      scf.if %cond3A_178 {
        %sub3A = arith.constant 2 : i32
        %sub3A_234 = arith.subi %add3A_173, %sub3A : i32
        %mul3A_235 = arith.constant 2 : i32
        %mul3A_236 = arith.muli %sub3A_234, %mul3A_235 : i32
        %add3A_237 = arith.addi %mul3A_2, %mul3A_236 : i32
        %dma_wait3A_238 = arith.constant 1 : i32
        %dma_wait3A_239 = arith.constant 0 : i32
        %dma_wait3A_240 = arith.constant 0 : i32
        %dma_wait3A_241 = arith.constant 0 : i32
        %dma_wait3A_242 = tpu.memref_slice %arg6[%dma_wait3A_238, %dma_wait3A_239, %dma_wait3A_240, %dma_wait3A_241] : memref<2x2x128x112xf32, #tpu.memory_space<vmem>> -> memref<1x2x128x112xf32, #tpu.memory_space<vmem>>
        %dma_wait3A_243 = tpu.memref_squeeze %dma_wait3A_242 : memref<1x2x128x112xf32, #tpu.memory_space<vmem>> -> memref<2x128x112xf32, #tpu.memory_space<vmem>>
        %dma_wait3A_244 = arith.constant 0 : i32
        %dma_wait3A_245 = arith.constant 0 : i32
        %dma_wait3A_246 = tpu.memref_slice %arg4[%add3A_237, %dma_wait3A_244, %dma_wait3A_245] : memref<25600x128x112xf32, #tpu.memory_space<hbm>> -> memref<2x128x112xf32, #tpu.memory_space<hbm>>
        %dma_wait3A_247 = arith.constant 0 : i32
        %dma_wait3A_248 = arith.constant 0 : i32
        %dma_wait3A_249 = tpu.memref_slice %arg4[%add3A_237, %dma_wait3A_247, %dma_wait3A_248] : memref<25600x128x112xf32, #tpu.memory_space<hbm>> -> memref<2x128x112xf32, #tpu.memory_space<hbm>>
        %dma_wait3A_250 = arith.constant 0 : i32
        %dma_wait3A_251 = arith.constant 0 : i32
        %dma_wait3A_252 = arith.constant 0 : i32
        %dma_wait3A_253 = tpu.memref_slice %arg6[%dma_wait3A_238, %dma_wait3A_250, %dma_wait3A_251, %dma_wait3A_252] : memref<2x2x128x112xf32, #tpu.memory_space<vmem>> -> memref<1x2x128x112xf32, #tpu.memory_space<vmem>>
        %dma_wait3A_254 = tpu.memref_squeeze %dma_wait3A_253 : memref<1x2x128x112xf32, #tpu.memory_space<vmem>> -> memref<2x128x112xf32, #tpu.memory_space<vmem>>
        tpu.wait_dma2 semaphore(%arg10 : memref<!tpu.dma_semaphore, #tpu.memory_space<semaphore_mem>>) src(%dma_wait3A_254 : memref<2x128x112xf32, #tpu.memory_space<vmem>>) dst(%dma_wait3A_249 : memref<2x128x112xf32, #tpu.memory_space<hbm>>)
      } else {
      }
      %mul3A_179 = arith.constant 2 : i32
      %mul3A_180 = arith.muli %add3A_173, %mul3A_179 : i32
      %add3A_181 = arith.addi %mul3A_2, %mul3A_180 : i32
      %run_scoped3A_182 = arith.constant 1 : i32
      "tpu.region"() ({
        %run_scoped3A_234 = tpu.sem_alloc : memref<!tpu.dma_semaphore, #tpu.memory_space<semaphore_mem>>
        %dma_start3A_235 = arith.constant 0 : i32
        %dma_start3A_236 = arith.constant 0 : i32
        %dma_start3A_237 = tpu.memref_slice %arg5[%run_scoped3A_182, %dma_start3A_235, %dma_start3A_236] : memref<2x2x128xi32, #tpu.memory_space<vmem>> -> memref<1x2x128xi32, #tpu.memory_space<vmem>>
        %dma_start3A_238 = tpu.memref_squeeze %dma_start3A_237 : memref<1x2x128xi32, #tpu.memory_space<vmem>> -> memref<2x128xi32, #tpu.memory_space<vmem>>
        %dma_start3A_239 = arith.constant 0 : i32
        %dma_start3A_240 = tpu.memref_slice %arg2[%add3A_181, %dma_start3A_239] : memref<25600x128xi32, #tpu.memory_space<hbm>> -> memref<2x128xi32, #tpu.memory_space<hbm>>
        %dma_start3A_241 = arith.constant 0 : i32
        %dma_start3A_242 = arith.constant 0 : i32
        %dma_start3A_243 = tpu.memref_slice %arg5[%run_scoped3A_182, %dma_start3A_241, %dma_start3A_242] : memref<2x2x128xi32, #tpu.memory_space<vmem>> -> memref<1x2x128xi32, #tpu.memory_space<vmem>>
        %dma_start3A_244 = tpu.memref_squeeze %dma_start3A_243 : memref<1x2x128xi32, #tpu.memory_space<vmem>> -> memref<2x128xi32, #tpu.memory_space<vmem>>
        %dma_start3A_245 = arith.constant 0 : i32
        %dma_start3A_246 = tpu.memref_slice %arg2[%add3A_181, %dma_start3A_245] : memref<25600x128xi32, #tpu.memory_space<hbm>> -> memref<2x128xi32, #tpu.memory_space<hbm>>
        tpu.enqueue_dma source(%dma_start3A_246 : memref<2x128xi32, #tpu.memory_space<hbm>>) target(%dma_start3A_244 : memref<2x128xi32, #tpu.memory_space<vmem>>) target_semaphore(%run_scoped3A_234 : memref<!tpu.dma_semaphore, #tpu.memory_space<semaphore_mem>>)
        %dma_wait3A_247 = arith.constant 0 : i32
        %dma_wait3A_248 = arith.constant 0 : i32
        %dma_wait3A_249 = tpu.memref_slice %arg5[%run_scoped3A_182, %dma_wait3A_247, %dma_wait3A_248] : memref<2x2x128xi32, #tpu.memory_space<vmem>> -> memref<1x2x128xi32, #tpu.memory_space<vmem>>
        %dma_wait3A_250 = tpu.memref_squeeze %dma_wait3A_249 : memref<1x2x128xi32, #tpu.memory_space<vmem>> -> memref<2x128xi32, #tpu.memory_space<vmem>>
        %dma_wait3A_251 = arith.constant 0 : i32
        %dma_wait3A_252 = tpu.memref_slice %arg2[%add3A_181, %dma_wait3A_251] : memref<25600x128xi32, #tpu.memory_space<hbm>> -> memref<2x128xi32, #tpu.memory_space<hbm>>
        %dma_wait3A_253 = arith.constant 0 : i32
        %dma_wait3A_254 = arith.constant 0 : i32
        %dma_wait3A_255 = tpu.memref_slice %arg5[%run_scoped3A_182, %dma_wait3A_253, %dma_wait3A_254] : memref<2x2x128xi32, #tpu.memory_space<vmem>> -> memref<1x2x128xi32, #tpu.memory_space<vmem>>
        %dma_wait3A_256 = tpu.memref_squeeze %dma_wait3A_255 : memref<1x2x128xi32, #tpu.memory_space<vmem>> -> memref<2x128xi32, #tpu.memory_space<vmem>>
        %dma_wait3A_257 = arith.constant 0 : i32
        %dma_wait3A_258 = tpu.memref_slice %arg2[%add3A_181, %dma_wait3A_257] : memref<25600x128xi32, #tpu.memory_space<hbm>> -> memref<2x128xi32, #tpu.memory_space<hbm>>
        tpu.wait_dma2 semaphore(%run_scoped3A_234 : memref<!tpu.dma_semaphore, #tpu.memory_space<semaphore_mem>>) src(%dma_wait3A_258 : memref<2x128xi32, #tpu.memory_space<hbm>>) dst(%dma_wait3A_256 : memref<2x128xi32, #tpu.memory_space<vmem>>)
        tpu.yield
      }) : () -> ()
      %dma_start3A_183 = arith.constant 1 : i32
      %dma_start3A_184 = arith.constant 0 : i32
      %dma_start3A_185 = arith.constant 1 : i32
      %dma_start3A_186 = arith.constant 0 : i32
      %dma_start3A_187 = arith.constant 0 : i32
      %dma_start3A_188 = arith.constant 0 : i32
      %dma_start3A_189 = arith.constant 0 : i32
      %dma_start3A_190 = tpu.memref_slice %arg6[%dma_start3A_185, %dma_start3A_187, %dma_start3A_188, %dma_start3A_189] : memref<2x2x128x112xf32, #tpu.memory_space<vmem>> -> memref<1x2x128x112xf32, #tpu.memory_space<vmem>>
      %dma_start3A_191 = tpu.memref_squeeze %dma_start3A_190 : memref<1x2x128x112xf32, #tpu.memory_space<vmem>> -> memref<2x128x112xf32, #tpu.memory_space<vmem>>
      %dma_start3A_192 = arith.constant 0 : i32
      %dma_start3A_193 = arith.constant 0 : i32
      %dma_start3A_194 = tpu.memref_slice %dma_start3A_191[%dma_start3A_186, %dma_start3A_192, %dma_start3A_193] : memref<2x128x112xf32, #tpu.memory_space<vmem>> -> memref<1x128x112xf32, #tpu.memory_space<vmem>>
      %dma_start3A_195 = tpu.memref_squeeze %dma_start3A_194 : memref<1x128x112xf32, #tpu.memory_space<vmem>> -> memref<128x112xf32, #tpu.memory_space<vmem>>
      %dma_start3A_196 = arith.constant 0 : i32
      %dma_start3A_197 = arith.constant 0 : i32
      %dma_start3A_198 = tpu.memref_slice %arg5[%dma_start3A_183, %dma_start3A_196, %dma_start3A_197] : memref<2x2x128xi32, #tpu.memory_space<vmem>> -> memref<1x2x128xi32, #tpu.memory_space<vmem>>
      %dma_start3A_199 = tpu.memref_squeeze %dma_start3A_198 : memref<1x2x128xi32, #tpu.memory_space<vmem>> -> memref<2x128xi32, #tpu.memory_space<vmem>>
      %dma_start3A_200 = arith.constant 0 : i32
      %dma_start3A_201 = tpu.memref_slice %dma_start3A_199[%dma_start3A_184, %dma_start3A_200] : memref<2x128xi32, #tpu.memory_space<vmem>> -> memref<1x128xi32, #tpu.memory_space<vmem>>
      %dma_start3A_202 = tpu.memref_squeeze %dma_start3A_201 : memref<1x128xi32, #tpu.memory_space<vmem>> -> memref<128xi32, #tpu.memory_space<vmem>>
      %dma_start3A_203 = arith.constant 0 : i32
      %dma_start3A_204 = arith.constant 0 : i32
      %dma_start3A_205 = tpu.memref_slice %arg3[%dma_start3A_203, %dma_start3A_204] : memref<400x112xf32, #tpu.memory_space<hbm>> -> memref<400x112xf32, #tpu.memory_space<hbm>>
      tpu.enqueue_indirect_dma source(%dma_start3A_205 : memref<400x112xf32, #tpu.memory_space<hbm>>) target(%dma_start3A_195 : memref<128x112xf32, #tpu.memory_space<vmem>>) offsets(%dma_start3A_202 : memref<128xi32, #tpu.memory_space<vmem>>) semaphore(%arg8 : memref<!tpu.dma_semaphore, #tpu.memory_space<semaphore_mem>>)
      %dma_start3A_206 = arith.constant 1 : i32
      %dma_start3A_207 = arith.constant 1 : i32
      %dma_start3A_208 = arith.constant 1 : i32
      %dma_start3A_209 = arith.constant 1 : i32
      %dma_start3A_210 = arith.constant 0 : i32
      %dma_start3A_211 = arith.constant 0 : i32
      %dma_start3A_212 = arith.constant 0 : i32
      %dma_start3A_213 = tpu.memref_slice %arg6[%dma_start3A_208, %dma_start3A_210, %dma_start3A_211, %dma_start3A_212] : memref<2x2x128x112xf32, #tpu.memory_space<vmem>> -> memref<1x2x128x112xf32, #tpu.memory_space<vmem>>
      %dma_start3A_214 = tpu.memref_squeeze %dma_start3A_213 : memref<1x2x128x112xf32, #tpu.memory_space<vmem>> -> memref<2x128x112xf32, #tpu.memory_space<vmem>>
      %dma_start3A_215 = arith.constant 0 : i32
      %dma_start3A_216 = arith.constant 0 : i32
      %dma_start3A_217 = tpu.memref_slice %dma_start3A_214[%dma_start3A_209, %dma_start3A_215, %dma_start3A_216] : memref<2x128x112xf32, #tpu.memory_space<vmem>> -> memref<1x128x112xf32, #tpu.memory_space<vmem>>
      %dma_start3A_218 = tpu.memref_squeeze %dma_start3A_217 : memref<1x128x112xf32, #tpu.memory_space<vmem>> -> memref<128x112xf32, #tpu.memory_space<vmem>>
      %dma_start3A_219 = arith.constant 0 : i32
      %dma_start3A_220 = arith.constant 0 : i32
      %dma_start3A_221 = tpu.memref_slice %arg5[%dma_start3A_206, %dma_start3A_219, %dma_start3A_220] : memref<2x2x128xi32, #tpu.memory_space<vmem>> -> memref<1x2x128xi32, #tpu.memory_space<vmem>>
      %dma_start3A_222 = tpu.memref_squeeze %dma_start3A_221 : memref<1x2x128xi32, #tpu.memory_space<vmem>> -> memref<2x128xi32, #tpu.memory_space<vmem>>
      %dma_start3A_223 = arith.constant 0 : i32
      %dma_start3A_224 = tpu.memref_slice %dma_start3A_222[%dma_start3A_207, %dma_start3A_223] : memref<2x128xi32, #tpu.memory_space<vmem>> -> memref<1x128xi32, #tpu.memory_space<vmem>>
      %dma_start3A_225 = tpu.memref_squeeze %dma_start3A_224 : memref<1x128xi32, #tpu.memory_space<vmem>> -> memref<128xi32, #tpu.memory_space<vmem>>
      %dma_start3A_226 = arith.constant 0 : i32
      %dma_start3A_227 = arith.constant 0 : i32
      %dma_start3A_228 = tpu.memref_slice %arg3[%dma_start3A_226, %dma_start3A_227] : memref<400x112xf32, #tpu.memory_space<hbm>> -> memref<400x112xf32, #tpu.memory_space<hbm>>
      tpu.enqueue_indirect_dma source(%dma_start3A_228 : memref<400x112xf32, #tpu.memory_space<hbm>>) target(%dma_start3A_218 : memref<128x112xf32, #tpu.memory_space<vmem>>) offsets(%dma_start3A_225 : memref<128xi32, #tpu.memory_space<vmem>>) semaphore(%arg8 : memref<!tpu.dma_semaphore, #tpu.memory_space<semaphore_mem>>)
      %ge3A_229 = arith.constant 1 : i32
      %ge3A_230 = arith.cmpi sge, %add3A_173, %ge3A_229 : i32
      %convert_element_type3A_231 = arith.extui %ge3A_230 : i1 to i32
      %cond3A_232 = arith.constant 0 : i32
      %cond3A_233 = arith.cmpi ne, %convert_element_type3A_231, %cond3A_232 : i32
      scf.if %cond3A_233 {
        %sub3A = arith.constant 1 : i32
        %sub3A_234 = arith.subi %add3A_173, %sub3A : i32
        %dma_wait3A_235 = arith.constant 0 : i32
        %dma_wait3A_236 = arith.constant 0 : i32
        %dma_wait3A_237 = arith.constant 0 : i32
        %dma_wait3A_238 = arith.constant 0 : i32
        %dma_wait3A_239 = arith.constant 0 : i32
        %dma_wait3A_240 = arith.constant 0 : i32
        %dma_wait3A_241 = arith.constant 0 : i32
        %dma_wait3A_242 = tpu.memref_slice %arg6[%dma_wait3A_237, %dma_wait3A_239, %dma_wait3A_240, %dma_wait3A_241] : memref<2x2x128x112xf32, #tpu.memory_space<vmem>> -> memref<1x2x128x112xf32, #tpu.memory_space<vmem>>
        %dma_wait3A_243 = tpu.memref_squeeze %dma_wait3A_242 : memref<1x2x128x112xf32, #tpu.memory_space<vmem>> -> memref<2x128x112xf32, #tpu.memory_space<vmem>>
        %dma_wait3A_244 = arith.constant 0 : i32
        %dma_wait3A_245 = arith.constant 0 : i32
        %dma_wait3A_246 = tpu.memref_slice %dma_wait3A_243[%dma_wait3A_238, %dma_wait3A_244, %dma_wait3A_245] : memref<2x128x112xf32, #tpu.memory_space<vmem>> -> memref<1x128x112xf32, #tpu.memory_space<vmem>>
        %dma_wait3A_247 = tpu.memref_squeeze %dma_wait3A_246 : memref<1x128x112xf32, #tpu.memory_space<vmem>> -> memref<128x112xf32, #tpu.memory_space<vmem>>
        %dma_wait3A_248 = arith.constant 0 : i32
        %dma_wait3A_249 = arith.constant 0 : i32
        %dma_wait3A_250 = tpu.memref_slice %arg5[%dma_wait3A_235, %dma_wait3A_248, %dma_wait3A_249] : memref<2x2x128xi32, #tpu.memory_space<vmem>> -> memref<1x2x128xi32, #tpu.memory_space<vmem>>
        %dma_wait3A_251 = tpu.memref_squeeze %dma_wait3A_250 : memref<1x2x128xi32, #tpu.memory_space<vmem>> -> memref<2x128xi32, #tpu.memory_space<vmem>>
        %dma_wait3A_252 = arith.constant 0 : i32
        %dma_wait3A_253 = tpu.memref_slice %dma_wait3A_251[%dma_wait3A_236, %dma_wait3A_252] : memref<2x128xi32, #tpu.memory_space<vmem>> -> memref<1x128xi32, #tpu.memory_space<vmem>>
        %dma_wait3A_254 = tpu.memref_squeeze %dma_wait3A_253 : memref<1x128xi32, #tpu.memory_space<vmem>> -> memref<128xi32, #tpu.memory_space<vmem>>
        %dma_wait3A_255 = arith.constant 0 : i32
        %dma_wait3A_256 = arith.constant 0 : i32
        %dma_wait3A_257 = tpu.memref_slice %arg3[%dma_wait3A_255, %dma_wait3A_256] : memref<400x112xf32, #tpu.memory_space<hbm>> -> memref<400x112xf32, #tpu.memory_space<hbm>>
        tpu.wait_indirect_dma semaphore(%arg7 : memref<!tpu.dma_semaphore, #tpu.memory_space<semaphore_mem>>) src(%dma_wait3A_257 : memref<400x112xf32, #tpu.memory_space<hbm>>) dst(%dma_wait3A_247 : memref<128x112xf32, #tpu.memory_space<vmem>>)
        %dma_wait3A_258 = arith.constant 0 : i32
        %dma_wait3A_259 = arith.constant 1 : i32
        %dma_wait3A_260 = arith.constant 0 : i32
        %dma_wait3A_261 = arith.constant 1 : i32
        %dma_wait3A_262 = arith.constant 0 : i32
        %dma_wait3A_263 = arith.constant 0 : i32
        %dma_wait3A_264 = arith.constant 0 : i32
        %dma_wait3A_265 = tpu.memref_slice %arg6[%dma_wait3A_260, %dma_wait3A_262, %dma_wait3A_263, %dma_wait3A_264] : memref<2x2x128x112xf32, #tpu.memory_space<vmem>> -> memref<1x2x128x112xf32, #tpu.memory_space<vmem>>
        %dma_wait3A_266 = tpu.memref_squeeze %dma_wait3A_265 : memref<1x2x128x112xf32, #tpu.memory_space<vmem>> -> memref<2x128x112xf32, #tpu.memory_space<vmem>>
        %dma_wait3A_267 = arith.constant 0 : i32
        %dma_wait3A_268 = arith.constant 0 : i32
        %dma_wait3A_269 = tpu.memref_slice %dma_wait3A_266[%dma_wait3A_261, %dma_wait3A_267, %dma_wait3A_268] : memref<2x128x112xf32, #tpu.memory_space<vmem>> -> memref<1x128x112xf32, #tpu.memory_space<vmem>>
        %dma_wait3A_270 = tpu.memref_squeeze %dma_wait3A_269 : memref<1x128x112xf32, #tpu.memory_space<vmem>> -> memref<128x112xf32, #tpu.memory_space<vmem>>
        %dma_wait3A_271 = arith.constant 0 : i32
        %dma_wait3A_272 = arith.constant 0 : i32
        %dma_wait3A_273 = tpu.memref_slice %arg5[%dma_wait3A_258, %dma_wait3A_271, %dma_wait3A_272] : memref<2x2x128xi32, #tpu.memory_space<vmem>> -> memref<1x2x128xi32, #tpu.memory_space<vmem>>
        %dma_wait3A_274 = tpu.memref_squeeze %dma_wait3A_273 : memref<1x2x128xi32, #tpu.memory_space<vmem>> -> memref<2x128xi32, #tpu.memory_space<vmem>>
        %dma_wait3A_275 = arith.constant 0 : i32
        %dma_wait3A_276 = tpu.memref_slice %dma_wait3A_274[%dma_wait3A_259, %dma_wait3A_275] : memref<2x128xi32, #tpu.memory_space<vmem>> -> memref<1x128xi32, #tpu.memory_space<vmem>>
        %dma_wait3A_277 = tpu.memref_squeeze %dma_wait3A_276 : memref<1x128xi32, #tpu.memory_space<vmem>> -> memref<128xi32, #tpu.memory_space<vmem>>
        %dma_wait3A_278 = arith.constant 0 : i32
        %dma_wait3A_279 = arith.constant 0 : i32
        %dma_wait3A_280 = tpu.memref_slice %arg3[%dma_wait3A_278, %dma_wait3A_279] : memref<400x112xf32, #tpu.memory_space<hbm>> -> memref<400x112xf32, #tpu.memory_space<hbm>>
        tpu.wait_indirect_dma semaphore(%arg7 : memref<!tpu.dma_semaphore, #tpu.memory_space<semaphore_mem>>) src(%dma_wait3A_280 : memref<400x112xf32, #tpu.memory_space<hbm>>) dst(%dma_wait3A_270 : memref<128x112xf32, #tpu.memory_space<vmem>>)
        %mul3A_281 = arith.constant 2 : i32
        %mul3A_282 = arith.muli %sub3A_234, %mul3A_281 : i32
        %add3A_283 = arith.addi %mul3A_2, %mul3A_282 : i32
        %dma_start3A_284 = arith.constant 0 : i32
        %dma_start3A_285 = arith.constant 0 : i32
        %dma_start3A_286 = arith.constant 0 : i32
        %dma_start3A_287 = arith.constant 0 : i32
        %dma_start3A_288 = tpu.memref_slice %arg6[%dma_start3A_284, %dma_start3A_285, %dma_start3A_286, %dma_start3A_287] : memref<2x2x128x112xf32, #tpu.memory_space<vmem>> -> memref<1x2x128x112xf32, #tpu.memory_space<vmem>>
        %dma_start3A_289 = tpu.memref_squeeze %dma_start3A_288 : memref<1x2x128x112xf32, #tpu.memory_space<vmem>> -> memref<2x128x112xf32, #tpu.memory_space<vmem>>
        %dma_start3A_290 = arith.constant 0 : i32
        %dma_start3A_291 = arith.constant 0 : i32
        %dma_start3A_292 = tpu.memref_slice %arg4[%add3A_283, %dma_start3A_290, %dma_start3A_291] : memref<25600x128x112xf32, #tpu.memory_space<hbm>> -> memref<2x128x112xf32, #tpu.memory_space<hbm>>
        %dma_start3A_293 = arith.constant 0 : i32
        %dma_start3A_294 = arith.constant 0 : i32
        %dma_start3A_295 = tpu.memref_slice %arg4[%add3A_283, %dma_start3A_293, %dma_start3A_294] : memref<25600x128x112xf32, #tpu.memory_space<hbm>> -> memref<2x128x112xf32, #tpu.memory_space<hbm>>
        %dma_start3A_296 = arith.constant 0 : i32
        %dma_start3A_297 = arith.constant 0 : i32
        %dma_start3A_298 = arith.constant 0 : i32
        %dma_start3A_299 = tpu.memref_slice %arg6[%dma_start3A_284, %dma_start3A_296, %dma_start3A_297, %dma_start3A_298] : memref<2x2x128x112xf32, #tpu.memory_space<vmem>> -> memref<1x2x128x112xf32, #tpu.memory_space<vmem>>
        %dma_start3A_300 = tpu.memref_squeeze %dma_start3A_299 : memref<1x2x128x112xf32, #tpu.memory_space<vmem>> -> memref<2x128x112xf32, #tpu.memory_space<vmem>>
        tpu.enqueue_dma source(%dma_start3A_300 : memref<2x128x112xf32, #tpu.memory_space<vmem>>) target(%dma_start3A_295 : memref<2x128x112xf32, #tpu.memory_space<hbm>>) target_semaphore(%arg9 : memref<!tpu.dma_semaphore, #tpu.memory_space<semaphore_mem>>)
      } else {
      }
    }
    %scan3A_7 = arith.constant 200 : i32
    %dma_wait3A = arith.constant 1 : i32
    %dma_wait3A_8 = arith.constant 0 : i32
    %dma_wait3A_9 = arith.constant 1 : i32
    %dma_wait3A_10 = arith.constant 0 : i32
    %dma_wait3A_11 = arith.constant 0 : i32
    %dma_wait3A_12 = arith.constant 0 : i32
    %dma_wait3A_13 = arith.constant 0 : i32
    %dma_wait3A_14 = tpu.memref_slice %arg6[%dma_wait3A_9, %dma_wait3A_11, %dma_wait3A_12, %dma_wait3A_13] : memref<2x2x128x112xf32, #tpu.memory_space<vmem>> -> memref<1x2x128x112xf32, #tpu.memory_space<vmem>>
    %dma_wait3A_15 = tpu.memref_squeeze %dma_wait3A_14 : memref<1x2x128x112xf32, #tpu.memory_space<vmem>> -> memref<2x128x112xf32, #tpu.memory_space<vmem>>
    %dma_wait3A_16 = arith.constant 0 : i32
    %dma_wait3A_17 = arith.constant 0 : i32
    %dma_wait3A_18 = tpu.memref_slice %dma_wait3A_15[%dma_wait3A_10, %dma_wait3A_16, %dma_wait3A_17] : memref<2x128x112xf32, #tpu.memory_space<vmem>> -> memref<1x128x112xf32, #tpu.memory_space<vmem>>
    %dma_wait3A_19 = tpu.memref_squeeze %dma_wait3A_18 : memref<1x128x112xf32, #tpu.memory_space<vmem>> -> memref<128x112xf32, #tpu.memory_space<vmem>>
    %dma_wait3A_20 = arith.constant 0 : i32
    %dma_wait3A_21 = arith.constant 0 : i32
    %dma_wait3A_22 = tpu.memref_slice %arg5[%dma_wait3A, %dma_wait3A_20, %dma_wait3A_21] : memref<2x2x128xi32, #tpu.memory_space<vmem>> -> memref<1x2x128xi32, #tpu.memory_space<vmem>>
    %dma_wait3A_23 = tpu.memref_squeeze %dma_wait3A_22 : memref<1x2x128xi32, #tpu.memory_space<vmem>> -> memref<2x128xi32, #tpu.memory_space<vmem>>
    %dma_wait3A_24 = arith.constant 0 : i32
    %dma_wait3A_25 = tpu.memref_slice %dma_wait3A_23[%dma_wait3A_8, %dma_wait3A_24] : memref<2x128xi32, #tpu.memory_space<vmem>> -> memref<1x128xi32, #tpu.memory_space<vmem>>
    %dma_wait3A_26 = tpu.memref_squeeze %dma_wait3A_25 : memref<1x128xi32, #tpu.memory_space<vmem>> -> memref<128xi32, #tpu.memory_space<vmem>>
    %dma_wait3A_27 = arith.constant 0 : i32
    %dma_wait3A_28 = arith.constant 0 : i32
    %dma_wait3A_29 = tpu.memref_slice %arg3[%dma_wait3A_27, %dma_wait3A_28] : memref<400x112xf32, #tpu.memory_space<hbm>> -> memref<400x112xf32, #tpu.memory_space<hbm>>
    tpu.wait_indirect_dma semaphore(%arg8 : memref<!tpu.dma_semaphore, #tpu.memory_space<semaphore_mem>>) src(%dma_wait3A_29 : memref<400x112xf32, #tpu.memory_space<hbm>>) dst(%dma_wait3A_19 : memref<128x112xf32, #tpu.memory_space<vmem>>)
    %dma_wait3A_30 = arith.constant 1 : i32
    %dma_wait3A_31 = arith.constant 1 : i32
    %dma_wait3A_32 = arith.constant 1 : i32
    %dma_wait3A_33 = arith.constant 1 : i32
    %dma_wait3A_34 = arith.constant 0 : i32
    %dma_wait3A_35 = arith.constant 0 : i32
    %dma_wait3A_36 = arith.constant 0 : i32
    %dma_wait3A_37 = tpu.memref_slice %arg6[%dma_wait3A_32, %dma_wait3A_34, %dma_wait3A_35, %dma_wait3A_36] : memref<2x2x128x112xf32, #tpu.memory_space<vmem>> -> memref<1x2x128x112xf32, #tpu.memory_space<vmem>>
    %dma_wait3A_38 = tpu.memref_squeeze %dma_wait3A_37 : memref<1x2x128x112xf32, #tpu.memory_space<vmem>> -> memref<2x128x112xf32, #tpu.memory_space<vmem>>
    %dma_wait3A_39 = arith.constant 0 : i32
    %dma_wait3A_40 = arith.constant 0 : i32
    %dma_wait3A_41 = tpu.memref_slice %dma_wait3A_38[%dma_wait3A_33, %dma_wait3A_39, %dma_wait3A_40] : memref<2x128x112xf32, #tpu.memory_space<vmem>> -> memref<1x128x112xf32, #tpu.memory_space<vmem>>
    %dma_wait3A_42 = tpu.memref_squeeze %dma_wait3A_41 : memref<1x128x112xf32, #tpu.memory_space<vmem>> -> memref<128x112xf32, #tpu.memory_space<vmem>>
    %dma_wait3A_43 = arith.constant 0 : i32
    %dma_wait3A_44 = arith.constant 0 : i32
    %dma_wait3A_45 = tpu.memref_slice %arg5[%dma_wait3A_30, %dma_wait3A_43, %dma_wait3A_44] : memref<2x2x128xi32, #tpu.memory_space<vmem>> -> memref<1x2x128xi32, #tpu.memory_space<vmem>>
    %dma_wait3A_46 = tpu.memref_squeeze %dma_wait3A_45 : memref<1x2x128xi32, #tpu.memory_space<vmem>> -> memref<2x128xi32, #tpu.memory_space<vmem>>
    %dma_wait3A_47 = arith.constant 0 : i32
    %dma_wait3A_48 = tpu.memref_slice %dma_wait3A_46[%dma_wait3A_31, %dma_wait3A_47] : memref<2x128xi32, #tpu.memory_space<vmem>> -> memref<1x128xi32, #tpu.memory_space<vmem>>
    %dma_wait3A_49 = tpu.memref_squeeze %dma_wait3A_48 : memref<1x128xi32, #tpu.memory_space<vmem>> -> memref<128xi32, #tpu.memory_space<vmem>>
    %dma_wait3A_50 = arith.constant 0 : i32
    %dma_wait3A_51 = arith.constant 0 : i32
    %dma_wait3A_52 = tpu.memref_slice %arg3[%dma_wait3A_50, %dma_wait3A_51] : memref<400x112xf32, #tpu.memory_space<hbm>> -> memref<400x112xf32, #tpu.memory_space<hbm>>
    tpu.wait_indirect_dma semaphore(%arg8 : memref<!tpu.dma_semaphore, #tpu.memory_space<semaphore_mem>>) src(%dma_wait3A_52 : memref<400x112xf32, #tpu.memory_space<hbm>>) dst(%dma_wait3A_42 : memref<128x112xf32, #tpu.memory_space<vmem>>)
    %add3A_53 = arith.constant 798 : i32
    %add3A_54 = arith.addi %mul3A_2, %add3A_53 : i32
    %dma_start3A = arith.constant 1 : i32
    %dma_start3A_55 = arith.constant 0 : i32
    %dma_start3A_56 = arith.constant 0 : i32
    %dma_start3A_57 = arith.constant 0 : i32
    %dma_start3A_58 = tpu.memref_slice %arg6[%dma_start3A, %dma_start3A_55, %dma_start3A_56, %dma_start3A_57] : memref<2x2x128x112xf32, #tpu.memory_space<vmem>> -> memref<1x2x128x112xf32, #tpu.memory_space<vmem>>
    %dma_start3A_59 = tpu.memref_squeeze %dma_start3A_58 : memref<1x2x128x112xf32, #tpu.memory_space<vmem>> -> memref<2x128x112xf32, #tpu.memory_space<vmem>>
    %dma_start3A_60 = arith.constant 0 : i32
    %dma_start3A_61 = arith.constant 0 : i32
    %dma_start3A_62 = tpu.memref_slice %arg4[%add3A_54, %dma_start3A_60, %dma_start3A_61] : memref<25600x128x112xf32, #tpu.memory_space<hbm>> -> memref<2x128x112xf32, #tpu.memory_space<hbm>>
    %dma_start3A_63 = arith.constant 0 : i32
    %dma_start3A_64 = arith.constant 0 : i32
    %dma_start3A_65 = tpu.memref_slice %arg4[%add3A_54, %dma_start3A_63, %dma_start3A_64] : memref<25600x128x112xf32, #tpu.memory_space<hbm>> -> memref<2x128x112xf32, #tpu.memory_space<hbm>>
    %dma_start3A_66 = arith.constant 0 : i32
    %dma_start3A_67 = arith.constant 0 : i32
    %dma_start3A_68 = arith.constant 0 : i32
    %dma_start3A_69 = tpu.memref_slice %arg6[%dma_start3A, %dma_start3A_66, %dma_start3A_67, %dma_start3A_68] : memref<2x2x128x112xf32, #tpu.memory_space<vmem>> -> memref<1x2x128x112xf32, #tpu.memory_space<vmem>>
    %dma_start3A_70 = tpu.memref_squeeze %dma_start3A_69 : memref<1x2x128x112xf32, #tpu.memory_space<vmem>> -> memref<2x128x112xf32, #tpu.memory_space<vmem>>
    tpu.enqueue_dma source(%dma_start3A_70 : memref<2x128x112xf32, #tpu.memory_space<vmem>>) target(%dma_start3A_65 : memref<2x128x112xf32, #tpu.memory_space<hbm>>) target_semaphore(%arg10 : memref<!tpu.dma_semaphore, #tpu.memory_space<semaphore_mem>>)
    %add3A_71 = arith.constant 796 : i32
    %add3A_72 = arith.addi %mul3A_2, %add3A_71 : i32
    %dma_wait3A_73 = arith.constant 0 : i32
    %dma_wait3A_74 = arith.constant 0 : i32
    %dma_wait3A_75 = arith.constant 0 : i32
    %dma_wait3A_76 = arith.constant 0 : i32
    %dma_wait3A_77 = tpu.memref_slice %arg6[%dma_wait3A_73, %dma_wait3A_74, %dma_wait3A_75, %dma_wait3A_76] : memref<2x2x128x112xf32, #tpu.memory_space<vmem>> -> memref<1x2x128x112xf32, #tpu.memory_space<vmem>>
    %dma_wait3A_78 = tpu.memref_squeeze %dma_wait3A_77 : memref<1x2x128x112xf32, #tpu.memory_space<vmem>> -> memref<2x128x112xf32, #tpu.memory_space<vmem>>
    %dma_wait3A_79 = arith.constant 0 : i32
    %dma_wait3A_80 = arith.constant 0 : i32
    %dma_wait3A_81 = tpu.memref_slice %arg4[%add3A_72, %dma_wait3A_79, %dma_wait3A_80] : memref<25600x128x112xf32, #tpu.memory_space<hbm>> -> memref<2x128x112xf32, #tpu.memory_space<hbm>>
    %dma_wait3A_82 = arith.constant 0 : i32
    %dma_wait3A_83 = arith.constant 0 : i32
    %dma_wait3A_84 = tpu.memref_slice %arg4[%add3A_72, %dma_wait3A_82, %dma_wait3A_83] : memref<25600x128x112xf32, #tpu.memory_space<hbm>> -> memref<2x128x112xf32, #tpu.memory_space<hbm>>
    %dma_wait3A_85 = arith.constant 0 : i32
    %dma_wait3A_86 = arith.constant 0 : i32
    %dma_wait3A_87 = arith.constant 0 : i32
    %dma_wait3A_88 = tpu.memref_slice %arg6[%dma_wait3A_73, %dma_wait3A_85, %dma_wait3A_86, %dma_wait3A_87] : memref<2x2x128x112xf32, #tpu.memory_space<vmem>> -> memref<1x2x128x112xf32, #tpu.memory_space<vmem>>
    %dma_wait3A_89 = tpu.memref_squeeze %dma_wait3A_88 : memref<1x2x128x112xf32, #tpu.memory_space<vmem>> -> memref<2x128x112xf32, #tpu.memory_space<vmem>>
    tpu.wait_dma2 semaphore(%arg9 : memref<!tpu.dma_semaphore, #tpu.memory_space<semaphore_mem>>) src(%dma_wait3A_89 : memref<2x128x112xf32, #tpu.memory_space<vmem>>) dst(%dma_wait3A_84 : memref<2x128x112xf32, #tpu.memory_space<hbm>>)
    %add3A_90 = arith.constant 798 : i32
    %add3A_91 = arith.addi %mul3A_2, %add3A_90 : i32
    %dma_wait3A_92 = arith.constant 1 : i32
    %dma_wait3A_93 = arith.constant 0 : i32
    %dma_wait3A_94 = arith.constant 0 : i32
    %dma_wait3A_95 = arith.constant 0 : i32
    %dma_wait3A_96 = tpu.memref_slice %arg6[%dma_wait3A_92, %dma_wait3A_93, %dma_wait3A_94, %dma_wait3A_95] : memref<2x2x128x112xf32, #tpu.memory_space<vmem>> -> memref<1x2x128x112xf32, #tpu.memory_space<vmem>>
    %dma_wait3A_97 = tpu.memref_squeeze %dma_wait3A_96 : memref<1x2x128x112xf32, #tpu.memory_space<vmem>> -> memref<2x128x112xf32, #tpu.memory_space<vmem>>
    %dma_wait3A_98 = arith.constant 0 : i32
    %dma_wait3A_99 = arith.constant 0 : i32
    %dma_wait3A_100 = tpu.memref_slice %arg4[%add3A_91, %dma_wait3A_98, %dma_wait3A_99] : memref<25600x128x112xf32, #tpu.memory_space<hbm>> -> memref<2x128x112xf32, #tpu.memory_space<hbm>>
    %dma_wait3A_101 = arith.constant 0 : i32
    %dma_wait3A_102 = arith.constant 0 : i32
    %dma_wait3A_103 = tpu.memref_slice %arg4[%add3A_91, %dma_wait3A_101, %dma_wait3A_102] : memref<25600x128x112xf32, #tpu.memory_space<hbm>> -> memref<2x128x112xf32, #tpu.memory_space<hbm>>
    %dma_wait3A_104 = arith.constant 0 : i32
    %dma_wait3A_105 = arith.constant 0 : i32
    %dma_wait3A_106 = arith.constant 0 : i32
    %dma_wait3A_107 = tpu.memref_slice %arg6[%dma_wait3A_92, %dma_wait3A_104, %dma_wait3A_105, %dma_wait3A_106] : memref<2x2x128x112xf32, #tpu.memory_space<vmem>> -> memref<1x2x128x112xf32, #tpu.memory_space<vmem>>
    %dma_wait3A_108 = tpu.memref_squeeze %dma_wait3A_107 : memref<1x2x128x112xf32, #tpu.memory_space<vmem>> -> memref<2x128x112xf32, #tpu.memory_space<vmem>>
    tpu.wait_dma2 semaphore(%arg10 : memref<!tpu.dma_semaphore, #tpu.memory_space<semaphore_mem>>) src(%dma_wait3A_108 : memref<2x128x112xf32, #tpu.memory_space<vmem>>) dst(%dma_wait3A_103 : memref<2x128x112xf32, #tpu.memory_space<hbm>>)
    return
  }
}

</mosaic_0001>

<sc_bundles>
// kernel: kernel.3.cloned.1.call-start
scs
__scs_entry_jumppad:
0x0: {  	(pc) =	sbr.rel $0x88, $3  }
0x1: {  	(tag) =	ssettag $0x0;
	lr =	simm.s32 $0x1  }
0x2: {  	[smem:$0x3F9F] =	sst lr;
	_ =	strace $0xD0000000  }
0x3: {  	_ = 	snop  }
0x4: {  	_ = 	snop  }
0x5: {  	_ = 	snop  }
0x6: {  	_ = 	snop  }
0x7: {  	_ = 	snop  }
__scs_overlays_trampoline_lowered:
0x8: {  	[smem:$0x3FAE] =	sst s0  }
0x9: {  	[smem:$0x3FAF] =	sst s1  }
0xa: {  	[smem:$0x3FB0] =	sst s2  }
0xb: {  	[smem:$0x3FB1] =	sst s3  }
0xc: {  	[smem:$0x3FB2] =	sst s4  }
0xd: {  	[smem:$0x3FB3] =	sst s5  }
0xe: {  	[smem:$0x3FB4] =	sst s6  }
0xf: {  	[smem:$0x3FB5] =	sst s7  }
0x10: {  	[smem:$0x3FB6] =	sst s8  }
0x11: {  	[smem:$0x3FB7] =	sst s9;
	s0 =	simm.s32 @!p0 $0x0  }
0x12: {  	s1 =	sld [smem:$0x3F9D];
	s0 =	simm.s32 @p0 $0x1  }
0x13: {  	[smem:$0x3FB8] =	sst s0;
	s0 =	simm.s32 @!p1 $0x0  }
0x14: {  	s2 =	sld [smem:$0x3F9C];
	s0 =	simm.s32 @p1 $0x1  }
0x15: {  	[smem:$0x3FB9] =	sst s0;
	s0 =	simm.s32 @!p2 $0x0  }
0x16: {  	s3 =	sld [smem:$0x3FDB];
	s0 =	simm.s32 @p2 $0x1  }
0x17: {  	s4 =	simm.s32 $0x1BF5;
	[smem:$0x3FBB] =	sst s0  }
0x18: {  	s0 =	sld [smem:$0x3F9E];
	_ =	swait.ge [sflag:s4], $0x0  }
0x19: {  	s7 =	sld [smem:$0x3F9F]  }
0x1a: {  	s8 =	sadd.s32 $0xFFFFE003, lr  }
0x1b: {  	s9 =	sadd.s32 $0xFFFFFEF7, lr;
	s5 =	simm.s32 $0xFFFFFFFF;
	p2 =	slt.u32 s8, $0xFFFFF086  }
0x1c: {  	p1 =	slt.u32 s9, $0xF7A;
	s5 =	simm.s32 @!p2 $0x0  }
0x1d: {  	s5 =	simm.s32 @p1 $0x1;
	p0 =	seq.s32 s7, s2  }
0x1e: {  	s7 =	smul.u32 @!p0 $0xF7A, s2;
	p2 =	seq.s32 @!p0 s5, $0x0  }
0x1f: {  	s9 =	smul.u32 $0xF7A, s1;
	s8 =	simm.s32 @!p0 $0x1BF5;
	p2 =	por !p2, p0  }
0x20: {  	[sflag:s8] =	ssyncset.s32 @!p0 $0xFFFFF086;
	s6 =	sadd.s32 @!p0 s3, s7;
	s7 =	simm.s32 @!p0 $0x108  }
0x21: {  	s3 =	sadd.s32 s3, s9;
	s6 =	sadd.s32 @!p0 $0x88, s6;
	s7 =	simm.s32 @p2 $0x1082  }
0x22: {  	[simem:s7], [sflag:s8] =	dma.local @!p0 [hbm:s6], $0xF7A  }
0x23: {  	s9 =	sor.u32 $0xD0000000, s2;
	s6 =	simm.s32 $0x108;
	_ =	swait.ge @!p0 [sflag:s8], $0x0  }
0x24: {  	s3 =	sadd.s32 $0x88, s3;
	s6 =	simm.s32 @!p1 $0x1082;
	[sflag:s4] =	ssyncset.s32 $0xFFFFF086  }
0x25: {  	[simem:s6], [sflag:s4] =	dma.local [hbm:s3], $0xF7A  }
0x26: {  	[smem:$0x3F9F] =	sst s1;
	(tag) =	ssettag s2;
	_ =	strace s9  }
0x27: {  	s1 =	sld [smem:$0x3FAF]  }
0x28: {  	s2 =	sld [smem:$0x3FB0]  }
0x29: {  	s4 =	sld [smem:$0x3FB2]  }
0x2a: {  	p0 =	seq.s32 s5, $0x0;
	s5 =	sld [smem:$0x3FB3]  }
0x2b: {  	s6 =	sld [smem:$0x3FB4]  }
0x2c: {  	s7 =	sld [smem:$0x3FB5]  }
0x2d: {  	s3 =	simm.s32 $0x108;
	s8 =	sld [smem:$0x3FB6]  }
0x2e: {  	s3 =	simm.s32 @!p0 $0x1082;
	s9 =	sld [smem:$0x3FB7]  }
0x2f: {  	lr =	sadd.s32 s0, s3;
	s0 =	sld [smem:$0x3FAE]  }
0x30: {  	s3 =	sld [smem:$0x3FB1]  }
0x31: {  	[smem:$0x3FBA] =	sst s10  }
0x32: {  	s10 =	sld [smem:$0x3FB8];
	_ =	sdelay $0x3  }
0x33: {  	p0 =	seq.s32 s10, $0x1;
	s10 =	sld [smem:$0x3FBA];
	_ =	sdelay $0x3  }
0x34: {  	[smem:$0x3FBA] =	sst s10  }
0x35: {  	s10 =	sld [smem:$0x3FB9];
	_ =	sdelay $0x3  }
0x36: {  	p1 =	seq.s32 s10, $0x1;
	s10 =	sld [smem:$0x3FBA];
	_ =	sdelay $0x3  }
0x37: {  	[smem:$0x3FBA] =	sst s10  }
0x38: {  	s10 =	sld [smem:$0x3FBB]  }
0x39: {  	_ = 	snop;
	(pc) =	sbr.ind lr, $3  }
0x3a: {  	_ = 	snop  }
0x3b: {  	_ = 	snop  }
0x3c: {  	p2 =	seq.s32 s10, $0x1;
	s10 =	sld [smem:$0x3FBA]  }
0x3d: {  	_ =	shalt  }
0x3e: {  	_ =	shalt  }
0x3f: {  	_ =	shalt  }
0x40: {  	_ =	shalt  }
0x41: {  	_ =	shalt  }
0x42: {  	_ =	shalt  }
0x43: {  	_ =	shalt  }
0x44: {  	_ =	shalt  }
0x45: {  	_ =	shalt  }
0x46: {  	_ =	shalt  }
0x47: {  	_ =	shalt  }
0x48: {  	_ =	shalt  }
0x49: {  	_ =	shalt  }
0x4a: {  	_ =	shalt  }
0x4b: {  	_ =	shalt  }
0x4c: {  	_ =	shalt  }
0x4d: {  	_ =	shalt  }
0x4e: {  	_ =	shalt  }
0x4f: {  	_ =	shalt  }
0x50: {  	_ =	shalt  }
0x51: {  	_ =	shalt  }
0x52: {  	_ =	shalt  }
0x53: {  	_ =	shalt  }
0x54: {  	_ =	shalt  }
0x55: {  	_ =	shalt  }
0x56: {  	_ =	shalt  }
0x57: {  	_ =	shalt  }
0x58: {  	_ =	shalt  }
0x59: {  	_ =	shalt  }
0x5a: {  	_ =	shalt  }
0x5b: {  	_ =	shalt  }
0x5c: {  	_ =	shalt  }
0x5d: {  	_ =	shalt  }
0x5e: {  	_ =	shalt  }
0x5f: {  	_ =	shalt  }
0x60: {  	_ =	shalt  }
0x61: {  	_ =	shalt  }
0x62: {  	_ =	shalt  }
0x63: {  	_ =	shalt  }
0x64: {  	_ =	shalt  }
0x65: {  	_ =	shalt  }
0x66: {  	_ =	shalt  }
0x67: {  	_ =	shalt  }
0x68: {  	_ =	shalt  }
0x69: {  	_ =	shalt  }
0x6a: {  	_ =	shalt  }
0x6b: {  	_ =	shalt  }
0x6c: {  	_ =	shalt  }
0x6d: {  	_ =	shalt  }
0x6e: {  	_ =	shalt  }
0x6f: {  	_ =	shalt  }
0x70: {  	_ =	shalt  }
0x71: {  	_ =	shalt  }
0x72: {  	_ =	shalt  }
0x73: {  	_ =	shalt  }
0x74: {  	_ =	shalt  }
0x75: {  	_ =	shalt  }
0x76: {  	_ =	shalt  }
0x77: {  	_ =	shalt  }
0x78: {  	_ =	shalt  }
0x79: {  	_ =	shalt  }
0x7a: {  	_ =	shalt  }
0x7b: {  	_ =	shalt  }
0x7c: {  	_ =	shalt  }
0x7d: {  	_ =	shalt  }
0x7e: {  	_ =	shalt  }
0x7f: {  	_ =	shalt  }
0x80: {  	_ =	shalt  }
0x81: {  	_ =	shalt  }
0x82: {  	_ =	shalt  }
0x83: {  	_ =	shalt  }
0x84: {  	_ =	shalt  }
0x85: {  	_ =	shalt  }
0x86: {  	_ =	shalt  }
0x87: {  	_ =	shalt  }
.Lfunc_end0:
.L_simem_size_0:
called_computation.1_lowered:
.L_overlay_start_0:
0x88: {  	s2 =	sld [smem:$0x3FD9]  }
0x89: {  	s3 =	sld [smem:$0x3FFE];
	_ =	sdelay $0x1  }
0x8a: {  	s1 =	srdreg.scid  }
0x8b: {  	s0 =	sand.u32 $0x1, s1  }
0x8c: {  	s17 =	sshll.u32 s0, $0xA;
	s2 =	sadd.s32 s3, s2  }
0x8d: {  	s2 =	sadd.s32 s2, s17  }
0x8e: {  	[smem:$0x3FC6] =	sst s2  }
0x8f: {  	_ = 	snop  }
0x90: {  	s2 =	sld [smem:$0x3FD0];
	(tm) =	ssettm $0x1  }
0x91: {  	s18 =	sld [smem:$0x3FFB];
	_ =	sdelay $0x3  }
0x92: {  	_ =	strace s18  }
0x93: {  	s3 =	sld [smem:$0x3FFC];
	_ =	sdelay $0x3  }
0x94: {  	_ =	strace s3  }
0x95: {  	s3 =	sld [smem:$0x3FFD];
	_ =	sdelay $0x3  }
0x96: {  	_ =	strace s3  }
0x97: {  	_ =	strace $0x8FFFFFFF  }
0x98: {  	s19 =	sld [smem:$0x3FDB];
	_ =	sdelay $0x1  }
0x99: {  	s4 =	simm.s32 $_scs_section_size  }
0x9a: {  	s5 =	simm.s32 $_size__tile_overlayer_lowered;
	s6 =	simm.s32 $_tile_overlayer_lowered  }
0x9b: {  	s22 =	simm.s32 $0x1BFF;
	s21 =	sshll.u32 s6, $0x1;
	s3 =	sadd.s32 s4, s19  }
0x9c: {  	s7 =	simm.s32 $0x0;
	s20 =	sshll.u32 s5, $0x1;
	s5 =	sadd.s32 s21, s3  }
0x9d: {  	[timem:s7], [sflag:s22] =	dma.local [hbm:s5], s20  }
0x9e: {  	_ =	swait.ge [sflag:s22], s20  }
0x9f: {  	s4 =	ssub.s32 $0x0, s20;
	[sflag:s22] =	ssyncset.done $0x0  }
0xa0: {  	[sflag:s22] =	ssyncadd.s32 s4;
	_ =	sdelay $0x1  }
0xa1: {  	s23 =	simm.s32 $0x1B8B  }
0xa2: {  	_ =	swait.ge [sflag:s23], $0x1  }
0xa3: {  	[sflag:s23] =	ssyncset.done $0x0  }
0xa4: {  	s25 =	simm.s32 $0x1B8E;
	s24 =	sld [smem:$0x3FFE];
	[sflag:s23] =	ssyncadd.s32 $0xFFFFFFFF  }
0xa5: {  	s26 =	simm.s32 $execute0_lowered;
	[smem:$0x3FD2] =	sst s25  }
0xa6: {  	s5 =	sshll.u32 s26, $0x1;
	_ =	strace $0x80000046;
	[dreg:$0x1] =	wrdreg $0xFFFFFFFF  }
0xa7: {  	s28 =	simm.s32 $_size_execute0_lowered;
	s3 =	sadd.s32 s3, s5;
	[dreg:$0x0] =	wrdreg $0x0  }
0xa8: {  	s5 =	sshll.u32 s28, $0x1;
	[dreg:$0x2] =	wrdreg s3  }
0xa9: {  	[dreg:$0x3] =	wrdreg s5  }
0xaa: {  	[dreg:$0x4] =	wrdreg $0xC0  }
0xab: {  	_ =	task [dreg:s7], $0x5FFFF  }
0xac: {  	[dreg:$0x1] =	wrdreg $0xFFFFFFFF  }
0xad: {  	[dreg:$0x0] =	wrdreg $0x60  }
0xae: {  	[dreg:$0x2] =	wrdreg s2  }
0xaf: {  	[dreg:$0x3] =	wrdreg s24  }
0xb0: {  	[dreg:$0x4] =	wrdreg $0x9  }
0xb1: {  	_ =	task.clear_ibuf [dreg:s7], $0x5FFFF;
	_ =	strace $0x90000046  }
0xb2: {  	s29 =	simm.s32 $0x9;
	_ =	strace $0x80000048  }
0xb3: {  	_ =	swait.ge [sflag:s29], $0x1  }
0xb4: {  	[sflag:s29] =	ssyncadd.s32 $0xFFFFFFFF  }
0xb5: {  	_ =	strace $0x90000048  }
0xb6: {  	_ =	sfence  }
0xb7: {  	s30 =	sld [smem:$0x0];
	_ =	sdelay $0x2  }
0xb8: {  	s31 =	sshll.u32 s1, $0xD;
	s1 =	sshrl.u32 s1, $0x2  }
0xb9: {  	s3 =	sand.u32 $0x4000, s31;
	s1 =	sadd.s32 s1, s30  }
0xba: {  	s0 =	sor.u32 s3, s0;
	s1 =	sshll.u32 s1, $0x11  }
0xbb: {  	s0 =	sor.u32 s1, s0  }
0xbc: {  	s0 =	sadd.s32 $0x8F2B, s0  }
0xbd: {  	[sflag:s0] =	ssyncadd.remote.s32 $0x1  }
0xbe: {  	_ =	sfence.sel $0xFFFF  }
0xbf: {  	[dreg:$0x0] =	wrdreg $0xFFFFFFFF;
	(pc) =	sbr.abs _section_cstart, $3  }
0xc0: {  	[dreg:$0x1] =	wrdreg $0xFFFFFFFF  }
0xc1: {  	_ =	task.clear_ibuf [dreg:s7], $0x2FFFF;
	_ =	strace $0x9FFFFFFF  }
0xc2: {  	(tm) =	ssettm $0x7FFFFFFF  }
0xc3: {  	_ =	shalt  }
tec
execute0_lowered:
.L_overlay_start_1:
0x0: {  	(tag) =	ssettag $0x1  }
0x1: {  	s9 =	rddreg [dreg:$0x0];
	s0 =	stileid.u32  }
0x2: {  	s1 =	srdreg.scid;
	s25 =	smul.u32 $0x32000, s0  }
0x3: {  	s4 =	rddreg [dreg:$0x1];
	s2 =	simm.s32 $0x0;
	s15 =	smul.u32 $0x2BC000, s0  }
0x4: {  	s17 =	simm.s32 $0x7200;
	s10 =	sand.u32 $0x1, s1;
	s16 =	smul.u32 $0x6400, s0  }
0x5: {  	s18 =	simm.s32 $0x180;
	s19 =	simm.s32 $0xAA00;
	s14 =	smul.u32 $0x19000, s10  }
0x6: {  	s20 =	simm.s32 $0x1;
	s3 =	sshll.u32 s0, $0x1;
	s28 =	smul.u32 $0x15E000, s10  }
0x7: {  	s5 =	sor.u32 s10, s3;
	s8 =	ssub.s32 $0x2, s10;
	s10 =	smul.u32 $0x3200, s10  }
0x8: {  	s21 =	simm.s32 $0x3;
	s1 =	rddreg [dreg:$0x2];
	s6 =	smul.u32 $0x19000, s5  }
0x9: {  	[smem:$0x7FF] =	sst s2;
	s12 =	sadd.s32 $0x1E00, s4;
	s7 =	smul.u32 $0xAF0000, s5  }
0xa: {  	_ =	strace $0x80000047;
	s3 =	sadd.s32 $0x800, s4;
	s11 =	smul.u32 $0x3200, s5  }
0xb: {  	s22 =	sshrl.u32 s8, $0x1;
	s13 =	smul.u32 $0x15E000, s5;
	s30 =	sadd.s32 s16, s9  }
0xc: {  	s16 =	simm.s32 $0x100;
	s23 =	ssub.s32 s8, s22;
	s14 =	sadd.s32 s14, s25  }
0xd: {  	s31 =	sadd.s32 s10, s30;
	s22 =	simm.s32 $0x2;
	s24 =	sshrl.u32 s7, $0x3  }
0xe: {  	s26 =	sor.u32 $0x100, s6;
	s5 =	smax.u32 s23, $0x1;
	s6 =	sadd.s32 s9, s11  }
0xf: {  	s8 =	sadd.s32 s12, s13;
	s29 =	sor.u32 $0x300, s14;
	s14 =	simm.s32 $0x200  }
0x10: {  	s23 =	simm.s32 $0x4;
	s4 =	sadd.s32 s12, s24;
	s7 =	sshrl.u32 s26, $0x3  }
0x11: {  	s13 =	sshrl.u32 s29, $0x3;
	s12 =	sadd.s32 s15, s12;
	s15 =	simm.s32 $0x3A00  }
0x12: {  	s24 =	simm.s32 $0x0;
	s4 =	sadd.s32 $0x15D200, s4;
	s7 =	sadd.s32 s9, s7  }
0x13: {  	s9 =	sadd.s32 s13, s9;
	s11 =	sadd.s32 s28, s12;
	s12 =	simm.s32 $0x5  }
0x14: {  	s13 =	simm.s32 $0x80;
	s10 =	sadd.s32 $0xE00, s11;
	s11 =	sadd.s32 $0x40, s31  }
.LBB2_1:
0x15: {  	[tilespmem:s2], [sflag:$0x5] =	stream.linear.gather [hbm4b:s6+s2], $0x100, $0x38;
	[tilespmem:$0xE200] =	vst v63  }
0x16: {  	_ =	swait.ge [sflag:s12], $0x100  }
0x17: {  	[sflag:s12] =	ssyncset.done $0x0  }
0x18: {  	[sflag:s12] =	ssyncadd.s32 $0xFFFFFF00  }
0x19: {  	[tilespmem:s14], [sflag:$0x1] =	stream.indirect.gather [hbm4b:s3+s13], $0x70, s2, s13, $0xb8;
	[tilespmem:$0xE200] =	vst v63  }
0x1a: {  	_ = 	snop  }
0x1b: {  	[tilespmem:s15], [sflag:$0x1] =	stream.indirect.gather [hbm4b:s3+s13], $0x70, s13, s13, $0xb8;
	[tilespmem:$0xE200] =	vst v63  }
0x1c: {  	_ = 	snop  }
0x1d: {  	[tilespmem:s16], [sflag:$0x5] =	stream.linear.gather [hbm4b:s7+s2], $0x100, $0x38;
	[tilespmem:$0xE200] =	vst v63  }
0x1e: {  	_ =	swait.ge [sflag:s12], $0x100  }
0x1f: {  	[sflag:s12] =	ssyncset.done $0x0  }
0x20: {  	[sflag:s12] =	ssyncadd.s32 $0xFFFFFF00  }
0x21: {  	[tilespmem:s17], [sflag:$0x2] =	stream.indirect.gather [hbm4b:s3+s13], $0x70, s16, s13, $0xb8;
	[tilespmem:$0xE200] =	vst v63  }
0x22: {  	_ = 	snop  }
0x23: {  	[tilespmem:s19], [sflag:$0x2] =	stream.indirect.gather [hbm4b:s3+s13], $0x70, s18, s13, $0xb8;
	[tilespmem:$0xE200] =	vst v63  }
0x24: {  	_ =	swait.ge [sflag:s20], $0x3800  }
0x25: {  	[sflag:s20] =	ssyncset.done $0x0  }
0x26: {  	[sflag:s20] =	ssyncadd.s32 $0xFFFFC800  }
0x27: {  	_ =	swait.ge [sflag:s20], $0x3800  }
0x28: {  	[sflag:s20] =	ssyncset.done $0x0  }
0x29: {  	[sflag:s20] =	ssyncadd.s32 $0xFFFFC800  }
0x2a: {  	[hbm4b:s8+s2] =	stream.linear.scatter [tilespmem:s14], [sflag:$0x3], $0x7000, $0x38;
	[tilespmem:$0xE200] =	vst v63  }
0x2b: {  	_ =	swait.ge [sflag:s21], $0x7000  }
0x2c: {  	[sflag:s21] =	ssyncset.done $0x0  }
0x2d: {  	s25 =	sadd.s32 $0x0, s11;
	[sflag:s21] =	ssyncadd.s32 $0xFFFF9000  }
0x2e: {  	[tilespmem:s2], [sflag:$0x5] =	stream.linear.gather [hbm4b:s25+s2], $0x100, $0x38;
	[tilespmem:$0xE200] =	vst v63  }
0x2f: {  	_ =	swait.ge [sflag:s12], $0x100  }
0x30: {  	[sflag:s12] =	ssyncset.done $0x0  }
0x31: {  	[sflag:s12] =	ssyncadd.s32 $0xFFFFFF00  }
0x32: {  	[tilespmem:s14], [sflag:$0x1] =	stream.indirect.gather [hbm4b:s3+s13], $0x70, s2, s13, $0xb8;
	[tilespmem:$0xE200] =	vst v63  }
0x33: {  	_ = 	snop  }
0x34: {  	[tilespmem:s15], [sflag:$0x1] =	stream.indirect.gather [hbm4b:s3+s13], $0x70, s13, s13, $0xb8;
	[tilespmem:$0xE200] =	vst v63  }
0x35: {  	_ =	swait.ge [sflag:s22], $0x3800  }
0x36: {  	[sflag:s22] =	ssyncset.done $0x0  }
0x37: {  	[sflag:s22] =	ssyncadd.s32 $0xFFFFC800  }
0x38: {  	_ =	swait.ge [sflag:s22], $0x3800  }
0x39: {  	[sflag:s22] =	ssyncset.done $0x0  }
0x3a: {  	[sflag:s22] =	ssyncadd.s32 $0xFFFFC800  }
0x3b: {  	[hbm4b:s10+s2] =	stream.linear.scatter [tilespmem:s17], [sflag:$0x4], $0x7000, $0x38;
	[tilespmem:$0xE200] =	vst v63  }
0x3c: {  	_ =	swait.ge [sflag:s23], $0x7000  }
0x3d: {  	[sflag:s23] =	ssyncset.done $0x0  }
0x3e: {  	s31 =	sadd.s32 $0x0, s9;
	[sflag:s23] =	ssyncadd.s32 $0xFFFF9000  }
0x3f: {  	[tilespmem:s16], [sflag:$0x5] =	stream.linear.gather [hbm4b:s31+s2], $0x100, $0x38;
	[tilespmem:$0xE200] =	vst v63  }
0x40: {  	_ =	swait.ge [sflag:s12], $0x100  }
0x41: {  	[sflag:s12] =	ssyncset.done $0x0  }
0x42: {  	[sflag:s12] =	ssyncadd.s32 $0xFFFFFF00  }
0x43: {  	[tilespmem:s17], [sflag:$0x2] =	stream.indirect.gather [hbm4b:s3+s13], $0x70, s16, s13, $0xb8;
	[tilespmem:$0xE200] =	vst v63  }
0x44: {  	_ = 	snop  }
0x45: {  	[tilespmem:s19], [sflag:$0x2] =	stream.indirect.gather [hbm4b:s3+s13], $0x70, s18, s13, $0xb8;
	[tilespmem:$0xE200] =	vst v63  }
0x46: {  	_ =	swait.ge [sflag:s20], $0x3800  }
0x47: {  	[sflag:s20] =	ssyncset.done $0x0  }
0x48: {  	[sflag:s20] =	ssyncadd.s32 $0xFFFFC800  }
0x49: {  	_ =	swait.ge [sflag:s20], $0x3800  }
0x4a: {  	s28 =	sadd.s32 $0xE00, s10;
	[sflag:s20] =	ssyncset.done $0x0  }
0x4b: {  	s26 =	sadd.s32 $0x1C00, s10;
	s25 =	simm.s32 $0x40;
	[sflag:s20] =	ssyncadd.s32 $0xFFFFC800  }
.LBB2_2:
0x4c: {  	[hbm4b:s28+s2] =	stream.linear.scatter [tilespmem:s14], [sflag:$0x3], $0x7000, $0x38;
	[tilespmem:$0xE200] =	vst v63  }
0x4d: {  	s28 =	smov.u32 s25  }
0x4e: {  	p0 =	sne.s32 s25, $0x3180;
	s25 =	sadd.s32 $0x40, s25;
	_ =	swait.ge [sflag:s21], $0x7000  }
0x4f: {  	[sflag:s21] =	ssyncset.done $0x0  }
0x50: {  	s29 =	sadd.s32 s28, s11;
	[sflag:s21] =	ssyncadd.s32 $0xFFFF9000  }
0x51: {  	[tilespmem:s2], [sflag:$0x5] =	stream.linear.gather [hbm4b:s29+s2], $0x100, $0x38;
	[tilespmem:$0xE200] =	vst v63  }
0x52: {  	_ =	swait.ge [sflag:s12], $0x100  }
0x53: {  	[sflag:s12] =	ssyncset.done $0x0  }
0x54: {  	[sflag:s12] =	ssyncadd.s32 $0xFFFFFF00  }
0x55: {  	[tilespmem:s14], [sflag:$0x1] =	stream.indirect.gather [hbm4b:s3+s13], $0x70, s2, s13, $0xb8;
	[tilespmem:$0xE200] =	vst v63  }
0x56: {  	_ = 	snop  }
0x57: {  	[tilespmem:s15], [sflag:$0x1] =	stream.indirect.gather [hbm4b:s3+s13], $0x70, s13, s13, $0xb8;
	[tilespmem:$0xE200] =	vst v63  }
0x58: {  	_ =	swait.ge [sflag:s22], $0x3800  }
0x59: {  	[sflag:s22] =	ssyncset.done $0x0  }
0x5a: {  	[sflag:s22] =	ssyncadd.s32 $0xFFFFC800  }
0x5b: {  	_ =	swait.ge [sflag:s22], $0x3800  }
0x5c: {  	[sflag:s22] =	ssyncset.done $0x0  }
0x5d: {  	[sflag:s22] =	ssyncadd.s32 $0xFFFFC800  }
0x5e: {  	[hbm4b:s26+s2] =	stream.linear.scatter [tilespmem:s17], [sflag:$0x4], $0x7000, $0x38;
	[tilespmem:$0xE200] =	vst v63  }
0x5f: {  	_ =	swait.ge [sflag:s23], $0x7000  }
0x60: {  	[sflag:s23] =	ssyncset.done $0x0  }
0x61: {  	s28 =	sadd.s32 s28, s9;
	[sflag:s23] =	ssyncadd.s32 $0xFFFF9000  }
0x62: {  	[tilespmem:s16], [sflag:$0x5] =	stream.linear.gather [hbm4b:s28+s2], $0x100, $0x38;
	[tilespmem:$0xE200] =	vst v63  }
0x63: {  	_ =	swait.ge [sflag:s12], $0x100  }
0x64: {  	[sflag:s12] =	ssyncset.done $0x0  }
0x65: {  	[sflag:s12] =	ssyncadd.s32 $0xFFFFFF00  }
0x66: {  	[tilespmem:s17], [sflag:$0x2] =	stream.indirect.gather [hbm4b:s3+s13], $0x70, s16, s13, $0xb8;
	[tilespmem:$0xE200] =	vst v63  }
0x67: {  	_ = 	snop  }
0x68: {  	[tilespmem:s19], [sflag:$0x2] =	stream.indirect.gather [hbm4b:s3+s13], $0x70, s18, s13, $0xb8;
	[tilespmem:$0xE200] =	vst v63  }
0x69: {  	_ =	swait.ge [sflag:s20], $0x3800  }
.Ltmp0:
0x6a: {  	[sflag:s20] =	ssyncset.done $0x0;
	(pc) =	sbr.rel @p0 .LBB2_2-.Ltmp0, $4  }
0x6b: {  	[sflag:s20] =	ssyncadd.s32 $0xFFFFC800  }
0x6c: {  	_ =	swait.ge [sflag:s20], $0x3800  }
0x6d: {  	[sflag:s20] =	ssyncset.done $0x0  }
0x6e: {  	s28 =	sadd.s32 $0xE00, s26;
	s26 =	sadd.s32 $0x1C00, s26;
	[sflag:s20] =	ssyncadd.s32 $0xFFFFC800  }
0x6f: {  	[hbm4b:s28+s2] =	stream.linear.scatter [tilespmem:s14], [sflag:$0x3], $0x7000, $0x38;
	[tilespmem:$0xE200] =	vst v63  }
0x70: {  	_ =	swait.ge [sflag:s22], $0x3800  }
0x71: {  	[sflag:s22] =	ssyncset.done $0x0  }
0x72: {  	[sflag:s22] =	ssyncadd.s32 $0xFFFFC800  }
0x73: {  	_ =	swait.ge [sflag:s22], $0x3800  }
0x74: {  	[sflag:s22] =	ssyncset.done $0x0  }
0x75: {  	s24 =	sadd.s32 $0x1, s24;
	[sflag:s22] =	ssyncadd.s32 $0xFFFFC800  }
0x76: {  	[hbm4b:s4+s2] =	stream.linear.scatter [tilespmem:s17], [sflag:$0x4], $0x7000, $0x38;
	[tilespmem:$0xE200] =	vst v63  }
0x77: {  	p0 =	sne.s32 s24, s5;
	_ =	swait.ge [sflag:s21], $0x7000  }
.Ltmp1:
0x78: {  	[sflag:s21] =	ssyncset.done $0x0;
	(pc) =	sbr.rel @p0 .LBB2_1-.Ltmp1, $4  }
0x79: {  	[sflag:s21] =	ssyncadd.s32 $0xFFFF9000  }
0x7a: {  	_ =	swait.ge [sflag:s23], $0x7000  }
0x7b: {  	[sflag:s23] =	ssyncset.done $0x0  }
0x7c: {  	[sflag:s23] =	ssyncadd.s32 $0xFFFF9000  }
0x7d: {  	_ =	sfence.sel $0x180000  }
0x7e: {  	[bflag:$0x0] =	sbarrier.arrive $0xFFFF  }
0x7f: {  	p0 =	sne.s32 s0, $0x0;
	_ =	strace $0x90000047  }
0x80: {  	s0 =	sadd.s32 @!p0 $0x100000, s1;
	[bflag:$0x2] =	sbarrier.arrive $0xFFFF  }
0x81: {  	[sflag:s0] =	ssyncadd.tile.s32 @!p0 $0x1;
	_ =	shalt  }
.Lfunc_end2:
_tile_overlayer_lowered:
.L_overlay_start_2:
0x82: {  	(tag) =	ssettag $0x2  }
0x83: {  	s0 =	rddreg [dreg:$0x0];
	s2 =	stileid.u32  }
0x84: {  	s1 =	rddreg [dreg:$0x1];
	p0 =	sne.s32 s2, $0x0  }
0x85: {  	s3 =	rddreg [dreg:$0x2];
	[bflag:$0x3] =	sbarrier.arrive $0xFFFF;
	s2 =	simm.s32 @!p0 $0x1C05  }
0x86: {  	[timem:s3], [sflag:s2] =	dma.local @!p0 [hbm:s0], s1  }
0x87: {  	s0 =	simm.s32 @!p0 $0x5  }
0x88: {  	_ =	swait.ge @!p0 [sflag:s0], s1  }
0x89: {  	s1 =	ssub.s32 @!p0 $0x0, s1;
	[sflag:s0] =	ssyncset.done @!p0 $0x0  }
0x8a: {  	[sflag:s0] =	ssyncadd.s32 @!p0 s1  }
0x8b: {  	[bflag:$0x3] =	sbarrier.arrive $0xFFFF  }
0x8c: {  	_ =	shalt  }

// kernel: sparse-core-data-format-call.cloned.1.call-start
scs
called_computation_lowered:
.L_overlay_start_0:
0x0: {  	s2 =	sld [smem:$0x3FD9]  }
0x1: {  	s3 =	sld [smem:$0x3FFE];
	_ =	sdelay $0x1  }
0x2: {  	s1 =	srdreg.scid  }
0x3: {  	s0 =	sand.u32 $0x1, s1  }
0x4: {  	s18 =	sshll.u32 s0, $0xA;
	s2 =	sadd.s32 s3, s2  }
0x5: {  	s2 =	sadd.s32 s2, s18  }
0x6: {  	[smem:$0x3FC6] =	sst s2  }
0x7: {  	_ = 	snop  }
0x8: {  	s2 =	sld [smem:$0x3FD0];
	(tm) =	ssettm $0x1  }
0x9: {  	s19 =	sld [smem:$0x3FFB];
	_ =	sdelay $0x3  }
0xa: {  	_ =	strace s19  }
0xb: {  	s3 =	sld [smem:$0x3FFC];
	_ =	sdelay $0x3  }
0xc: {  	_ =	strace s3  }
0xd: {  	s3 =	sld [smem:$0x3FFD];
	_ =	sdelay $0x3  }
0xe: {  	_ =	strace s3  }
0xf: {  	_ =	strace $0x8FFFFFFF  }
0x10: {  	s20 =	sld [smem:$0x3FDB];
	_ =	sdelay $0x1  }
0x11: {  	s4 =	simm.s32 $_scs_section_size  }
0x12: {  	s5 =	simm.s32 $_size__tile_overlayer_lowered;
	s6 =	simm.s32 $_tile_overlayer_lowered  }
0x13: {  	s23 =	simm.s32 $0x1BFF;
	s22 =	sshll.u32 s6, $0x1;
	s3 =	sadd.s32 s4, s20  }
0x14: {  	s7 =	simm.s32 $0x0;
	s21 =	sshll.u32 s5, $0x1;
	s5 =	sadd.s32 s22, s3  }
0x15: {  	[timem:s7], [sflag:s23] =	dma.local [hbm:s5], s21  }
0x16: {  	_ =	swait.ge [sflag:s23], s21  }
0x17: {  	s4 =	ssub.s32 $0x0, s21;
	[sflag:s23] =	ssyncset.done $0x0  }
0x18: {  	[sflag:s23] =	ssyncadd.s32 s4;
	_ =	sdelay $0x1  }
0x19: {  	s24 =	simm.s32 $0x1B8B  }
0x1a: {  	_ =	swait.ge [sflag:s24], $0x1  }
0x1b: {  	[sflag:s24] =	ssyncset.done $0x0  }
0x1c: {  	s26 =	simm.s32 $0x1B8E;
	s25 =	sld [smem:$0x3FFE];
	[sflag:s24] =	ssyncadd.s32 $0xFFFFFFFF  }
0x1d: {  	s27 =	simm.s32 $execute0_lowered;
	[smem:$0x3FD2] =	sst s26  }
0x1e: {  	s5 =	sshll.u32 s27, $0x1;
	_ =	strace $0x80000049;
	[dreg:$0x1] =	wrdreg $0xFFFFFFFF  }
0x1f: {  	s28 =	simm.s32 $_size_execute0_lowered;
	s3 =	sadd.s32 s3, s5;
	[dreg:$0x0] =	wrdreg $0x0  }
0x20: {  	s5 =	sshll.u32 s28, $0x1;
	[dreg:$0x2] =	wrdreg s3  }
0x21: {  	[dreg:$0x3] =	wrdreg s5  }
0x22: {  	[dreg:$0x4] =	wrdreg $0xC0  }
0x23: {  	_ =	task [dreg:s7], $0x5FFFF  }
0x24: {  	[dreg:$0x1] =	wrdreg $0xFFFFFFFF  }
0x25: {  	[dreg:$0x0] =	wrdreg $0x60  }
0x26: {  	[dreg:$0x2] =	wrdreg s25  }
0x27: {  	[dreg:$0x3] =	wrdreg s2  }
0x28: {  	[dreg:$0x4] =	wrdreg $0x9  }
0x29: {  	_ =	task.clear_ibuf [dreg:s7], $0x5FFFF;
	_ =	strace $0x90000049  }
0x2a: {  	s29 =	simm.s32 $0x9;
	_ =	strace $0x8000004B  }
0x2b: {  	_ =	swait.ge [sflag:s29], $0x1  }
0x2c: {  	[sflag:s29] =	ssyncadd.s32 $0xFFFFFFFF  }
0x2d: {  	_ =	strace $0x9000004B  }
0x2e: {  	_ =	sfence  }
0x2f: {  	s30 =	sld [smem:$0x0];
	_ =	sdelay $0x2  }
0x30: {  	s31 =	sshll.u32 s1, $0xD;
	s1 =	sshrl.u32 s1, $0x2  }
0x31: {  	s3 =	sand.u32 $0x4000, s31;
	s1 =	sadd.s32 s1, s30  }
0x32: {  	s0 =	sor.u32 s3, s0;
	s1 =	sshll.u32 s1, $0x11  }
0x33: {  	s0 =	sor.u32 s1, s0  }
0x34: {  	s0 =	sadd.s32 $0x8F2B, s0  }
0x35: {  	[sflag:s0] =	ssyncadd.remote.s32 $0x1  }
0x36: {  	_ =	sfence.sel $0xFFFF  }
0x37: {  	[dreg:$0x0] =	wrdreg $0xFFFFFFFF;
	(pc) =	sbr.abs _section_cstart, $3  }
0x38: {  	[dreg:$0x1] =	wrdreg $0xFFFFFFFF  }
0x39: {  	_ =	task.clear_ibuf [dreg:s7], $0x2FFFF;
	_ =	strace $0x9FFFFFFF  }
0x3a: {  	(tm) =	ssettm $0x7FFFFFFF  }
0x3b: {  	_ =	shalt  }
tec
execute0_lowered:
.L_overlay_start_1:
0x0: {  	(tag) =	ssettag $0x1  }
0x1: {  	s0 =	srdreg.scid  }
0x2: {  	s1 =	sshll.u32 s0, $0x4  }
0x3: {  	s6 =	rddreg [dreg:$0x0];
	s0 =	stileid.u32;
	s1 =	sand.u32 $0x10, s1  }
0x4: {  	s3 =	rddreg [dreg:$0x1];
	s1 =	sor.u32 s0, s1  }
0x5: {  	s5 =	simm.s32 $0x1;
	s31 =	simm.s32 $0x2;
	s2 =	sshll.u32 s1, $0x7  }
0x6: {  	s15 =	simm.s32 $0x0;
	s8 =	simm.s32 $0x320000;
	s4 =	ssub.s32 $0x4000, s2  }
0x7: {  	s14 =	simm.s32 $0x0;
	s9 =	simm.s32 $0x0;
	s30 =	sand.u32 $0xF80, s4  }
0x8: {  	s10 =	simm.s32 $0x0;
	s11 =	simm.s32 $0x0;
	p0 =	sne.s32 s30, $0x0  }
.Ltmp0:
0x9: {  	s7 =	sshrl.u32 s4, $0xC;
	s5 =	simm.s32 @!p0 $0x0;
	(pc) =	sbr.rel .LBB1_1-.Ltmp0, $4  }
0xa: {  	s13 =	simm.s32 $0x0;
	s1 =	rddreg [dreg:$0x2];
	s5 =	sadd.s32 s5, s7  }
0xb: {  	_ =	strace $0x8000004A;
	s4 =	simm.s32 $0x1;
	s5 =	smul.u32 $0xC8, s5  }
0xc: {  	s6 =	sadd.s32 $0x2BC1E00, s6;
	s12 =	smov.u32 s2;
	[sflag:s4] =	ssyncpa.u1 $0x0  }
0xd: {  	[sflag:s31] =	ssyncpa.u1 $0x0;
	p0 =	por $0x0, $0x0;
	s7 =	sor.u32 $0x1, s5  }
.LBB1_4:
0xe: {  	s20 =	sshra.s32 s20, $0x2;
	s27 =	sshll.u32 s9, $0xE  }
0xf: {  	s21 =	sand.u32 $0x78, s10;
	s22 =	sshll.u32 s10, $0x3;
	s24 =	sshll.u32 s9, $0x7  }
0x10: {  	p1 =	sgt.s32 s9, $0xC7;
	s30 =	sshra.s32 s9, $0x1F;
	s25 =	sshra.s32 s10, $0x1F  }
0x11: {  	s19 =	sadd.s32 s20, s19;
	s20 =	sand.u32 $0xFFFE0000, s27;
	s23 =	sand.u32 $0xFFFFFC00, s22  }
0x12: {  	v5 =	vld [tilespmem:s17+$0xFFFFFFD0];
	[tilespmem:s18+$0x2040 ss:$0x81] =	vst.msk $0xffff, v4;
	s22 =	sand.u32 $0x3C00, s22;
	s28 =	sand.u32 $0x380, s24;
	s31 =	sand.u32 s30, s9  }
0x13: {  	v58 =	vld [tilespmem:s17+$0xFFFFFFE0];
	[tilespmem:s18+$0x2850 ss:$0x81] =	vst.msk $0xffff, v3;
	s24 =	smov.u32 s10;
	s25 =	sand.u32 s25, s10;
	s20 =	sadd.s32 s23, s20  }
0x14: {  	v59 =	vld [tilespmem:s17+$0xFFFFFFF0];
	[tilespmem:s18+$0x3060 ss:$0x81] =	vst.msk $0xffff, v2;
	s21 =	sor.u32 s21, s22;
	s22 =	smov.u32 s9;
	s20 =	sshrl.u32 s20, $0xE  }
0x15: {  	v60 =	vld [tilespmem:s17+$0x0];
	[tilespmem:s18+$0x0 ss:$0x81] =	vst.msk $0xffff, v1;
	s22 =	simm.s32 @!p1 $0xC7;
	p1 =	sgt.s32 s10, $0x3F80;
	s29 =	smulhi.u32 $0x147AE15, s20  }
0x16: {  	v61 =	vld [tilespmem:s17+$0x10];
	[tilespmem:s19+$0x3870 ss:$0x81] =	vst.msk $0xffff, v0;
	s21 =	sor.u32 s28, s21;
	s18 =	ssub.s32 s22, s31;
	s24 =	simm.s32 @!p1 $0x3F80  }
0x17: {  	v62 =	vld [tilespmem:s17+$0x20];
	[tilespmem:s19+$0x810 ss:$0x81] =	vst.msk $0xffff, v5;
	s22 =	ssub.s32 s24, s25;
	s26 =	ssub.s32 $0xC8, s18;
	s23 =	smul.u32 $0xC8, s29  }
0x18: {  	v63 =	vld [tilespmem:s17+$0xFFFFFFC0];
	[tilespmem:s19+$0x1020 ss:$0x81] =	vst.msk $0xffff, v58;
	s27 =	sadd.s32 $0xFFFFFF39, s18;
	s18 =	smul.u32 $0x64, s26;
	s28 =	sadd.s32 $0xFFFFC080, s22  }
0x19: {  	[tilespmem:s19+$0x1830 ss:$0x81] =	vst.msk $0xffff, v59;
	p1 =	sgt.s32 s27, $0x0;
	s17 =	ssub.s32 $0x4000, s22;
	p2 =	sgt.s32 s28, $0x7F  }
0x1a: {  	s30 =	sand.u32 $0x7, s10;
	[tilespmem:s19+$0x2040 ss:$0x81] =	vst.msk $0xffff, v60;
	s18 =	simm.s32 @p1 $0x0;
	s17 =	simm.s32 @p2 $0x0  }
0x1b: {  	[tilespmem:s19+$0x2850 ss:$0x81] =	vst.msk $0xffff, v61;
	s29 =	sshrl.u32 s21, $0x3;
	s20 =	ssub.s32 s20, s23;
	s17 =	smul.u32 s17, s18  }
0x1c: {  	[tilespmem:s19+$0x3060 ss:$0x81] =	vst.msk $0xffff, v62;
	s21 =	sshll.u32 s30, $0x12;
	s20 =	sshll.u32 s20, $0xB;
	s18 =	sadd.s32 s3, s29  }
0x1d: {  	[tilespmem:s19+$0x0 ss:$0x81] =	vst.msk $0xffff, v63;
	s31 =	sor.u32 $0x80, s21;
	s18 =	sadd.s32 s20, s18;
	s17 =	sand.u32 $0x3FFFFFFC, s17  }
0x1e: {  	[hbm4b:s18+s31] =	stream.strided.scatter [tilespmem:s16], [sflag:$0x2], s17, s8, s31, $0x20;
	[tilespmem:$0x10100] =	vst v63  }
.LBB1_5:
0x1f: {  	p1 =	slt.u32 s13, $0x2  }
0x20: {  	s17 =	smov.u32 s15;
	p2 =	sgt.s32 @!p1 s15, $0xC7;
	s16 =	sshra.s32 @!p1 s15, $0x1F  }
0x21: {  	p3 =	sgt.s32 @!p1 s14, $0x3F80;
	s18 =	sshra.s32 @!p1 s14, $0x1F;
	p2 =	por !p2, p1  }
0x22: {  	s15 =	sand.u32 @!p1 s16, s15;
	p3 =	por !p3, p1;
	s16 =	smov.u32 s14  }
0x23: {  	s14 =	sand.u32 @!p1 s18, s14;
	s17 =	simm.s32 @p2 $0xC7;
	s16 =	simm.s32 @p3 $0x3F80  }
0x24: {  	s18 =	smov.u32 s12;
	s15 =	ssub.s32 @!p1 s17, s15;
	s14 =	ssub.s32 @!p1 s16, s14  }
0x25: {  	s16 =	sadd.s32 @!p1 $0xFFFFFF39, s15;
	s15 =	ssub.s32 @!p1 $0xC8, s15;
	s17 =	sadd.s32 @!p1 $0xFFFFC080, s14  }
0x26: {  	p2 =	sgt.s32 @!p1 s16, $0x0;
	s15 =	smul.u32 @!p1 $0x64, s15;
	p3 =	sgt.s32 @!p1 s17, $0x7F  }
0x27: {  	s14 =	ssub.s32 @!p1 $0x4000, s14;
	p2 =	por !p2, p1;
	p3 =	por !p3, p1  }
0x28: {  	s16 =	sadd.s32 $0x1, s11;
	s15 =	simm.s32 @!p2 $0x0;
	s14 =	simm.s32 @!p3 $0x0  }
0x29: {  	p2 =	sgt.s32 s16, $0xC7;
	s14 =	smul.u32 @!p1 s14, s15;
	s15 =	sadd.s32 $0x1000, s12  }
0x2a: {  	s18 =	smov.u32 @p2 s15  }
0x2b: {  	s16 =	simm.s32 @p2 $0x0;
	p2 =	sgt.s32 s18, $0x3FFF  }
0x2c: {  	s18 =	smov.u32 @p2 s2;
	p2 =	sne.s32 s13, s7  }
.Ltmp1:
0x2d: {  	p0 =	por !p0, !p0;
	s17 =	simm.s32 @!p1 $0x2;
	(pc) =	sbr.rel @!p2 .LBB1_6-.Ltmp1, $4  }
0x2e: {  	s15 =	smov.u32 s9;
	s9 =	smov.u32 s11;
	s14 =	sand.u32 @!p1 $0x3FFFFFFC, s14  }
0x2f: {  	s11 =	smov.u32 s16;
	_ =	swait.ge @!p1 [sflag:s17], s14;
	s19 =	ssub.s32 @!p1 $0x0, s14  }
0x30: {  	s14 =	smov.u32 s10;
	s13 =	sadd.s32 $0x1, s13;
	[sflag:s17] =	ssyncset.done @!p1 $0x0  }
0x31: {  	s10 =	smov.u32 s12;
	s12 =	smov.u32 s18;
	[sflag:s17] =	ssyncadd.s32 @!p1 s19  }
.LBB1_1:
0x32: {  	p1 =	sge.u32 s13, s5  }
0x33: {  	s16 =	sand.u32 @!p1 $0x1FFFFFF, s11  }
0x34: {  	s17 =	smulhi.u32 @!p1 $0x147AE15, s16;
	_ =	sdelay $0x1  }
0x35: {  	s17 =	smul.u32 @!p1 $0xC8, s17  }
0x36: {  	s18 =	sxor.u32 @!p1 $0xFFFFFFFF, s13;
	s19 =	smul.u32 @!p1 $0xC80, s12  }
0x37: {  	s31 =	sadd.s32 $0xFFFFFFFF, s13;
	s18 =	sshll.u32 @!p1 s18, $0xE;
	s16 =	ssub.s32 @!p1 s16, s17  }
0x38: {  	s17 =	sand.u32 @!p1 $0x4000, s18;
	s18 =	sadd.s32 @!p1 s6, s19;
	s16 =	sshll.u32 @!p1 s16, $0x4  }
0x39: {  	s19 =	simm.s32 @!p1 $0x6400;
	s16 =	sadd.s32 @!p1 s16, s18;
	s18 =	simm.s32 @!p1 $0x80  }
0x3a: {  	[tilespmem:s17], [sflag:$0x1] =	stream.strided.gather @!p1 [hbm4b:s16+s18], $0x4000, s19, s18, $0x38;
	[tilespmem:$0x10100] =	vst v63  }
0x3b: {  	p1 =	sge.u32 s31, s5  }
.Ltmp2:
0x3c: {  	_ = 	snop;
	(pc) =	sbr.rel @p1 .LBB1_5-.Ltmp2, $1  }
0x3d: {  	_ =	sdelay $0x3  }
0x3e: {  	s16 =	simm.s32 $0x1  }
0x3f: {  	_ =	swait.ge [sflag:s4], $0x4000;
	s16 =	simm.s32 @!p0 $0x0  }
0x40: {  	[sflag:s4] =	ssyncset.done $0x0;
	s17 =	sshll.u32 s16, $0xE  }
0x41: {  	[sflag:s4] =	ssyncadd.s32 $0xFFFFC000;
	s17 =	sor.u32 $0x40, s17  }
0x42: {  	s16 =	smul.u32 $0x10200, s16;
	v0 =	vld [tilespmem:s17+$0x30]  }
0x43: {  	v1 =	vld [tilespmem:s17+$0xFFFFFFD0]  }
0x44: {  	s16 =	sshrl.u32 s16, $0x2;
	v5 =	vld [tilespmem:s17+$0xFFFFFFE0]  }
0x45: {  	v6 =	vld [tilespmem:s17+$0xFFFFFFF0];
	s19 =	sor.u32 $0x8000, s16  }
0x46: {  	s31 =	sand.u32 $0x1, s13;
	v4 =	vld [tilespmem:s17+$0x0];
	s18 =	sadd.s32 $0x0, s19  }
0x47: {  	v3 =	vld [tilespmem:s17+$0x10];
	s16 =	smul.u32 $0x10200, s31;
	[tilespmem:s18+$0x3870 ss:$0x81] =	vst.msk $0xffff, v0  }
0x48: {  	v2 =	vld [tilespmem:s17+$0x20];
	[tilespmem:s18+$0x810 ss:$0x81] =	vst.msk $0xffff, v1  }
0x49: {  	s16 =	sshrl.u32 s16, $0x2;
	v1 =	vld [tilespmem:s17+$0xFFFFFFC0];
	[tilespmem:s18+$0x1020 ss:$0x81] =	vst.msk $0xffff, v5;
	s17 =	sadd.s32 $0x80, s17  }
0x4a: {  	s20 =	simm.s32 $0x4;
	s21 =	simm.s32 $0x8;
	s16 =	sor.u32 $0x8000, s16;
	[tilespmem:s18+$0x1830 ss:$0x81] =	vst.msk $0xffff, v6;
	v0 =	vld [tilespmem:s17+$0x30]  }
.LBB1_3:
0x4b: {  	p1 =	sne.s32 s21, $0x1FC;
	v5 =	vld [tilespmem:s17+$0xFFFFFFD0];
	[tilespmem:s18+$0x2040 ss:$0x81] =	vst.msk $0xffff, v4  }
0x4c: {  	v6 =	vld [tilespmem:s17+$0xFFFFFFE0];
	[tilespmem:s18+$0x2850 ss:$0x81] =	vst.msk $0xffff, v3  }
0x4d: {  	s22 =	sshra.s32 s20, $0x2;
	s20 =	smov.u32 s21;
	v7 =	vld [tilespmem:s17+$0xFFFFFFF0];
	[tilespmem:s18+$0x3060 ss:$0x81] =	vst.msk $0xffff, v2  }
.Ltmp3:
0x4e: {  	v4 =	vld [tilespmem:s17+$0x0];
	[tilespmem:s18+$0x0 ss:$0x81] =	vst.msk $0xffff, v1;
	s18 =	sadd.s32 s22, s19;
	(pc) =	sbr.rel @p1 .LBB1_3-.Ltmp3, $4  }
0x4f: {  	v3 =	vld [tilespmem:s17+$0x10];
	[tilespmem:s18+$0x3870 ss:$0x81] =	vst.msk $0xffff, v0  }
0x50: {  	[tilespmem:s18+$0x810 ss:$0x81] =	vst.msk $0xffff, v5;
	v2 =	vld [tilespmem:s17+$0x20]  }
0x51: {  	v1 =	vld [tilespmem:s17+$0xFFFFFFC0];
	[tilespmem:s18+$0x1020 ss:$0x81] =	vst.msk $0xffff, v6;
	s17 =	sadd.s32 $0x80, s17  }
0x52: {  	s21 =	sadd.s32 $0x4, s21;
	v0 =	vld [tilespmem:s17+$0x30];
	[tilespmem:s18+$0x1830 ss:$0x81] =	vst.msk $0xffff, v7  }
.Ltmp4:
0x53: {  	_ = 	snop;
	(pc) =	sbr.rel .LBB1_4-.Ltmp4, $1  }
0x54: {  	_ =	sdelay $0x3  }
.LBB1_6:
0x55: {  	_ =	sfence.sel $0x180000  }
0x56: {  	s2 =	simm.s32 $0x1;
	[bflag:$0x0] =	sbarrier.arrive $0xFFFF  }
0x57: {  	s31 =	simm.s32 $0x2;
	[sflag:s2] =	ssyncpa.u1 $0x1  }
0x58: {  	[sflag:s31] =	ssyncpa.u1 $0x1  }
0x59: {  	p0 =	sne.s32 s0, $0x0;
	_ =	strace $0x9000004A  }
0x5a: {  	s0 =	sadd.s32 @!p0 $0x100000, s1;
	[bflag:$0x2] =	sbarrier.arrive $0xFFFF  }
0x5b: {  	[sflag:s0] =	ssyncadd.tile.s32 @!p0 $0x1;
	_ =	shalt  }
.Lfunc_end1:
_tile_overlayer_lowered:
.L_overlay_start_2:
0x5c: {  	(tag) =	ssettag $0x2  }
0x5d: {  	s0 =	rddreg [dreg:$0x0];
	s2 =	stileid.u32  }
0x5e: {  	s1 =	rddreg [dreg:$0x1];
	p0 =	sne.s32 s2, $0x0  }
0x5f: {  	s3 =	rddreg [dreg:$0x2];
	[bflag:$0x3] =	sbarrier.arrive $0xFFFF;
	s2 =	simm.s32 @!p0 $0x1C01  }
0x60: {  	[timem:s3], [sflag:s2] =	dma.local @!p0 [hbm:s0], s1  }
0x61: {  	s0 =	simm.s32 @!p0 $0x1  }
0x62: {  	_ =	swait.ge @!p0 [sflag:s0], s1  }
0x63: {  	s1 =	ssub.s32 @!p0 $0x0, s1;
	[sflag:s0] =	ssyncset.done @!p0 $0x0  }
0x64: {  	[sflag:s0] =	ssyncadd.s32 @!p0 s1  }
0x65: {  	[bflag:$0x3] =	sbarrier.arrive $0xFFFF  }
0x66: {  	_ =	shalt  }

</sc_bundles>
